<compile_context>
chip_gen: v7x
topology: tpu7x:2x2x1
jax: 0.10.2.dev20260603
libtpu: 0.0.44.dev20260713+nightly
codegen_flags: <defaults>
</compile_context>

<pallas_src>
import functools

import jax
import jax.numpy as jnp
from jax import lax
from jax.experimental import pallas as pl
from jax.experimental.pallas import tpu as pltpu
from jax.experimental.pallas import tpu_sc as plsc

_MIN_COV = 1e-06
_FILL = -10.0


def _prefix16(m, iota):
    s = jnp.where(m, 1, 0).astype(jnp.int32)
    for sh in (1, 2, 4, 8):
        idx = jnp.maximum(iota - sh, 0)
        g = s.at[idx].get(mode="promise_in_bounds")
        s = s + jnp.where(iota >= sh, g, 0)
    return s


def _sc_scatter(p2, rs, cs, B, K, C, ps, H, W):
    NB = H // ps
    TASKS = B * NB
    NW = 32
    TPW = TASKS // NW
    BAND_W = C * ps * W
    CNT_W = ps * W
    CH = 8

    mesh = plsc.VectorSubcoreMesh(core_axis_name="c", subcore_axis_name="s")

    @functools.partial(
        pl.kernel,
        out_type=(
            jax.ShapeDtypeStruct((TASKS * BAND_W,), jnp.float32),
            jax.ShapeDtypeStruct((TASKS * CNT_W,), jnp.float32),
        ),
        mesh=mesh,
        compiler_params=pltpu.CompilerParams(needs_layout_passes=False),
        scratch_types=[
            pltpu.VMEM((BAND_W,), jnp.float32),
            pltpu.VMEM((CNT_W,), jnp.float32),
            pltpu.VMEM((CH, C * ps * ps), jnp.float32),
            pltpu.VMEM((CH, C * ps * ps), jnp.float32),
            pltpu.VMEM((K + 16,), jnp.int32),
            pltpu.VMEM((K + 16,), jnp.int32),
            pltpu.VMEM((K + 16,), jnp.int32),
            pltpu.VMEM((K + 16,), jnp.int32),
            pltpu.VMEM((K + 16,), jnp.int32),
            pltpu.SemaphoreType.DMA,
            pltpu.SemaphoreType.DMA,
        ],
    )
    def k(p2_hbm, rs_hbm, cs_hbm, sums_hbm, cnts_hbm,
          acc, cac, stage_a, stage_b, rsv, csv, ids, rsel, csel,
          sem_a, sem_b):
        wid = lax.axis_index("s") * 2 + lax.axis_index("c")
        b = wid // 4
        bk = b * K
        pltpu.sync_copy(rs_hbm.at[pl.ds(bk, K)], rsv.at[pl.ds(0, K)])
        pltpu.sync_copy(cs_hbm.at[pl.ds(bk, K)], csv.at[pl.ds(0, K)])
        zero16 = jnp.zeros((16,), jnp.float32)
        one16 = jnp.ones((16,), jnp.float32)
        iota = lax.iota(jnp.int32, 16)

        def zids(i, carry):
            ids[pl.ds(i * 16, 16)] = jnp.full((16,), bk, jnp.int32)
            return carry

        lax.fori_loop(0, (K + 16) // 16, zids, 0)

        def task_body(j, carry0):
            band = (wid % 4) * TPW + j
            h0 = band * ps
            task = b * NB + band

            def zacc(i, carry):
                for u in range(8):
                    acc[pl.ds(i * 128 + u * 16, 16)] = zero16
                return carry

            lax.fori_loop(0, BAND_W // 128, zacc, 0)

            def zcnt(i, carry):
                for u in range(8):
                    cac[pl.ds(i * 128 + u * 16, 16)] = zero16
                return carry

            lax.fori_loop(0, CNT_W // 128, zcnt, 0)

            def sel(kk, cnt):
                rv = rsv[pl.ds(kk * 16, 16)]
                cv = csv[pl.ds(kk * 16, 16)]
                m = (rv >= h0 - (ps - 1)) & (rv <= h0 + (ps - 1))
                pre = _prefix16(m, iota)
                idx = cnt + pre - 1
                plsc.store_scatter(ids, [idx], bk + kk * 16 + iota, mask=m)
                plsc.store_scatter(rsel, [idx], rv, mask=m)
                plsc.store_scatter(csel, [idx], cv, mask=m)
                return cnt + pre[15]

            n = lax.fori_loop(0, K // 16, sel, jnp.int32(0))
            nch = (n + CH - 1) // CH

            def gather_start(ch, stage, sem):
                pltpu.async_copy(p2_hbm.at[ids.at[pl.ds(ch * CH, CH)]],
                                 stage, sem)

            def gather_wait(ch, stage, sem):
                pltpu.make_async_copy(p2_hbm.at[ids.at[pl.ds(ch * CH, CH)]],
                                      stage, sem).wait()

            def process(ch, stage):
                def p_body(p, c2):
                    gp = ch * CH + p

                    @pl.when(gp < n)
                    def _():
                        r = rsel[pl.ds(gp, 16)][0]
                        c0 = csel[pl.ds(gp, 16)][0]
                        lo = jnp.maximum(r, h0)
                        hi = jnp.minimum(r + ps, h0 + ps)

                        def row_body(i, c3):
                            li = i - h0
                            pi = i - r
                            plsc.addupdate(cac.at[pl.ds(li * W + c0, 16)],
                                           one16)
                            for c in range(C):
                                v = stage[p, pl.ds((c * ps + pi) * ps, ps)]
                                plsc.addupdate(
                                    acc.at[pl.ds((c * ps + li) * W + c0, 16)],
                                    v)
                            return c3

                        lax.fori_loop(lo, hi, row_body, 0)

                    return c2

                lax.fori_loop(0, CH, p_body, 0)

            @pl.when(nch > 0)
            def _():
                gather_start(0, stage_a, sem_a)

                def pair_body(cp, carry):
                    e = 2 * cp
                    o = e + 1

                    @pl.when(o < nch)
                    def _():
                        gather_start(o, stage_b, sem_b)

                    gather_wait(e, stage_a, sem_a)
                    process(e, stage_a)

                    @pl.when(o < nch)
                    def _():
                        @pl.when(o + 1 < nch)
                        def _():
                            gather_start(o + 1, stage_a, sem_a)

                        gather_wait(o, stage_b, sem_b)
                        process(o, stage_b)

                    return carry

                lax.fori_loop(0, (nch + 1) // 2, pair_body, 0)
            pltpu.sync_copy(acc, sums_hbm.at[pl.ds(task * BAND_W, BAND_W)])
            pltpu.sync_copy(cac, cnts_hbm.at[pl.ds(task * CNT_W, CNT_W)])
            return carry0

        lax.fori_loop(0, TPW, task_body, 0)

    return k(p2, rs, cs)


def _normalize(sums5, cnts5, B, C, H, W, ps):
    NB = H // ps
    NBB = 8

    def body(s_ref, c_ref, o_ref):
        s = s_ref[0, :, 0].reshape(NBB * ps, W)
        cnt = c_ref[0, :, 0].reshape(NBB * ps, W)
        covered = cnt > _MIN_COV
        o_ref[0, 0] = jnp.where(
            covered, s / jnp.maximum(cnt, _MIN_COV),
            jnp.full_like(s, _FILL))

    return pl.pallas_call(
        body,
        grid=(B, C, NB // NBB),
        in_specs=[
            pl.BlockSpec((1, NBB, 1, ps, W), lambda b, c, n: (b, n, c, 0, 0)),
            pl.BlockSpec((1, NBB, 1, ps, W), lambda b, c, n: (b, n, 0, 0, 0)),
        ],
        out_specs=pl.BlockSpec((1, 1, NBB * ps, W),
                               lambda b, c, n: (b, c, n, 0)),
        out_shape=jax.ShapeDtypeStruct((B, C, H, W), jnp.float32),
    )(sums5, cnts5)


def kernel(patch_logits, coords, output_size):
    B, K, C, ps, _ = patch_logits.shape
    H, W = 512, 512
    p2 = patch_logits.reshape(B * K, C * ps * ps)
    rs = coords[:, :, 0].reshape(-1)
    cs = coords[:, :, 1].reshape(-1)
    sums_flat, cnts_flat = _sc_scatter(p2, rs, cs, B, K, C, ps, H, W)
    NB = H // ps
    sums5 = sums_flat.reshape(B, NB, C, ps, W)
    cnts5 = cnts_flat.reshape(B, NB, 1, ps, W)
    return _normalize(sums5, cnts5, B, C, H, W, ps)

# --- scband reference (transcript-rebuilt; emitter-appended) ---
"""Pipeline reference for scband-patch-aggregator-20048907337760 (READ-ONLY COPY).

The authoritative reference and input builder live on the scoring server;
editing this copy changes nothing except your own understanding.
"""

import jax, jax.numpy as jnp
import numpy as np

MIN_COVERAGE = 1e-06

def setup_inputs(seed: int = 0):
    key = jax.random.key(seed)
    k1, k2 = jax.random.split(key)
    B, K, C, ps = 8, 1024, 8, 16
    H = W = 512
    patch_logits = jax.random.normal(k1, (B, K, C, ps, ps), dtype=jnp.float32)
    coords = jax.random.randint(k2, (B, K, 2), 0, H - ps + 1, dtype=jnp.int32)
    return {"patch_logits": patch_logits, "coords": coords, "output_size": (H, W)}

def _aggregate(patch_logits, coords, output_size):
    B, K, C, ps, _ = patch_logits.shape
    H, W = 512, 512
    Ht = jnp.asarray(output_size[0], dtype=jnp.int32)
    Wt = jnp.asarray(output_size[1], dtype=jnp.int32)
    offs = jnp.arange(ps, dtype=jnp.int32)
    patch_rows = coords[:, :, 0:1] + offs[None, None, :]
    patch_cols = coords[:, :, 1:2] + offs[None, None, :]
    rows_2d = jnp.broadcast_to(patch_rows[:, :, :, None], (B, K, ps, ps))
    cols_2d = jnp.broadcast_to(patch_cols[:, :, None, :], (B, K, ps, ps))
    valid = (rows_2d >= 0) & (rows_2d < Ht) & (cols_2d >= 0) & (cols_2d < Wt)
    valid_f = valid[:, :, None, :, :].astype(jnp.float32)
    flat_idx = (jnp.clip(rows_2d, 0, Ht - 1) * Wt + jnp.clip(cols_2d, 0, Wt - 1)).reshape(B, -1)
    base_weights = jnp.ones_like(patch_logits)
    weighted = (patch_logits * base_weights * valid_f).transpose(0, 2, 1, 3, 4).reshape(B, C, -1)
    w_masked = (base_weights * valid_f).transpose(0, 2, 1, 3, 4).reshape(B, C, -1)
    def scat(idx, vals):
        return jnp.zeros((C, H * W), dtype=jnp.float32).at[:, idx].add(vals)
    output = jax.vmap(scat)(flat_idx, weighted).reshape(B, C, H, W)
    counts = jax.vmap(scat)(flat_idx, w_masked).reshape(B, C, H, W)
    covered = counts > MIN_COVERAGE
    counts_safe = jnp.clip(counts, MIN_COVERAGE, None)
    aggregated = output / counts_safe
    aggregated = jnp.where(covered, aggregated, jnp.full_like(aggregated, -10.0))
    return aggregated

def reference(patch_logits, coords, output_size):
    return _aggregate(patch_logits, coords, output_size)

if __name__ == "__main__":
    import jax
    _d = setup_inputs()
    print(jax.jit(kernel)(*tuple(_d.values())))

</pallas_src>

<mosaic_0001>
#map = affine_map<(d0, d1) -> (0, 0)>
#map1 = affine_map<(d0, d1) -> (0)>
module attributes {stable_mosaic.version = 14 : i64} {
  func.func @k(%arg0: i32, %arg1: i32, %arg2: memref<8192x2048xf32, #tpu.memory_space<hbm>>, %arg3: memref<8192xi32, #tpu.memory_space<hbm>>, %arg4: memref<8192xi32, #tpu.memory_space<hbm>>, %arg5: memref<16777216xf32, #tpu.memory_space<hbm>>, %arg6: memref<2097152xf32, #tpu.memory_space<hbm>>, %arg7: memref<65536xf32, #tpu.memory_space<vmem>>, %arg8: memref<8192xf32, #tpu.memory_space<vmem>>, %arg9: memref<8x2048xf32, #tpu.memory_space<vmem>>, %arg10: memref<8x2048xf32, #tpu.memory_space<vmem>>, %arg11: memref<1040xi32, #tpu.memory_space<vmem>>, %arg12: memref<1040xi32, #tpu.memory_space<vmem>>, %arg13: memref<1040xi32, #tpu.memory_space<vmem>>, %arg14: memref<1040xi32, #tpu.memory_space<vmem>>, %arg15: memref<1040xi32, #tpu.memory_space<vmem>>, %arg16: memref<!tpu.dma_semaphore, #tpu.memory_space<semaphore_mem>>, %arg17: memref<!tpu.dma_semaphore, #tpu.memory_space<semaphore_mem>>) attributes {dimension_semantics = [#tpu.dimension_semantics<core_parallel>, #tpu.dimension_semantics<subcore_parallel>], iteration_bounds = array<i64: 2, 16>, scalar_prefetch = 0 : i64, scratch_operands = 11 : i64, tpu.core_type = #tpu.core_type<sc_vector_subcore>, window_params = [{transform_indices = #map}, {transform_indices = #map1}, {transform_indices = #map1}, {transform_indices = #map1}, {transform_indices = #map1}]} {
    %mul3A = arith.constant 2 : i32
    %mul3A_0 = arith.muli %arg1, %mul3A : i32
    %add3A = arith.addi %mul3A_0, %arg0 : i32
    %jit3A = arith.constant 4 : i32
    %div3A = arith.divsi %add3A, %jit3A : i32
    %sign3A = arith.constant 0 : i32
    %sign3A_1 = arith.cmpi sgt, %add3A, %sign3A : i32
    %sign3A_2 = arith.extui %sign3A_1 : i1 to i32
    %sign3A_3 = arith.constant 0 : i32
    %sign3A_4 = arith.cmpi slt, %add3A, %sign3A_3 : i32
    %sign3A_5 = arith.extui %sign3A_4 : i1 to i32
    %sign3A_6 = arith.subi %sign3A_2, %sign3A_5 : i32
    %sign3A_7 = arith.constant 0 : i32
    %sign3A_8 = arith.cmpi sgt, %jit3A, %sign3A_7 : i32
    %sign3A_9 = arith.extui %sign3A_8 : i1 to i32
    %sign3A_10 = arith.constant 0 : i32
    %sign3A_11 = arith.cmpi slt, %jit3A, %sign3A_10 : i32
    %sign3A_12 = arith.extui %sign3A_11 : i1 to i32
    %sign3A_13 = arith.subi %sign3A_9, %sign3A_12 : i32
    %ne3A = arith.cmpi ne, %sign3A_6, %sign3A_13 : i32
    %rem3A = arith.remsi %add3A, %jit3A : i32
    %ne3A_14 = arith.constant 0 : i32
    %ne3A_15 = arith.cmpi ne, %rem3A, %ne3A_14 : i32
    %and3A = arith.andi %ne3A, %ne3A_15 : i1
    %sub3A = arith.constant 1 : i32
    %sub3A_16 = arith.subi %div3A, %sub3A : i32
    %select_n3A = arith.select %and3A, %sub3A_16, %div3A : i32
    %mul3A_17 = arith.constant 1024 : i32
    %mul3A_18 = arith.muli %select_n3A, %mul3A_17 : i32
    "tpu.region"() ({
      %run_scoped3A = tpu.sem_alloc : memref<!tpu.dma_semaphore, #tpu.memory_space<semaphore_mem>>
      %dma_start3A = arith.constant 0 : i32
      %dma_start3A_33 = tpu.memref_slice %arg11[%dma_start3A] : memref<1040xi32, #tpu.memory_space<vmem>> -> memref<1024xi32, #tpu.memory_space<vmem>>
      %dma_start3A_34 = tpu.memref_slice %arg3[%mul3A_18] : memref<8192xi32, #tpu.memory_space<hbm>> -> memref<1024xi32, #tpu.memory_space<hbm>>
      %dma_start3A_35 = arith.constant 0 : i32
      %dma_start3A_36 = tpu.memref_slice %arg11[%dma_start3A_35] : memref<1040xi32, #tpu.memory_space<vmem>> -> memref<1024xi32, #tpu.memory_space<vmem>>
      %dma_start3A_37 = tpu.memref_slice %arg3[%mul3A_18] : memref<8192xi32, #tpu.memory_space<hbm>> -> memref<1024xi32, #tpu.memory_space<hbm>>
      tpu.enqueue_dma source(%dma_start3A_37 : memref<1024xi32, #tpu.memory_space<hbm>>) target(%dma_start3A_36 : memref<1024xi32, #tpu.memory_space<vmem>>) target_semaphore(%run_scoped3A : memref<!tpu.dma_semaphore, #tpu.memory_space<semaphore_mem>>)
      %dma_wait3A = arith.constant 0 : i32
      %dma_wait3A_38 = tpu.memref_slice %arg11[%dma_wait3A] : memref<1040xi32, #tpu.memory_space<vmem>> -> memref<1024xi32, #tpu.memory_space<vmem>>
      %dma_wait3A_39 = tpu.memref_slice %arg3[%mul3A_18] : memref<8192xi32, #tpu.memory_space<hbm>> -> memref<1024xi32, #tpu.memory_space<hbm>>
      %dma_wait3A_40 = arith.constant 0 : i32
      %dma_wait3A_41 = tpu.memref_slice %arg11[%dma_wait3A_40] : memref<1040xi32, #tpu.memory_space<vmem>> -> memref<1024xi32, #tpu.memory_space<vmem>>
      %dma_wait3A_42 = tpu.memref_slice %arg3[%mul3A_18] : memref<8192xi32, #tpu.memory_space<hbm>> -> memref<1024xi32, #tpu.memory_space<hbm>>
      tpu.wait_dma2 semaphore(%run_scoped3A : memref<!tpu.dma_semaphore, #tpu.memory_space<semaphore_mem>>) src(%dma_wait3A_42 : memref<1024xi32, #tpu.memory_space<hbm>>) dst(%dma_wait3A_41 : memref<1024xi32, #tpu.memory_space<vmem>>)
      tpu.yield
    }) : () -> ()
    "tpu.region"() ({
      %run_scoped3A = tpu.sem_alloc : memref<!tpu.dma_semaphore, #tpu.memory_space<semaphore_mem>>
      %dma_start3A = arith.constant 0 : i32
      %dma_start3A_33 = tpu.memref_slice %arg12[%dma_start3A] : memref<1040xi32, #tpu.memory_space<vmem>> -> memref<1024xi32, #tpu.memory_space<vmem>>
      %dma_start3A_34 = tpu.memref_slice %arg4[%mul3A_18] : memref<8192xi32, #tpu.memory_space<hbm>> -> memref<1024xi32, #tpu.memory_space<hbm>>
      %dma_start3A_35 = arith.constant 0 : i32
      %dma_start3A_36 = tpu.memref_slice %arg12[%dma_start3A_35] : memref<1040xi32, #tpu.memory_space<vmem>> -> memref<1024xi32, #tpu.memory_space<vmem>>
      %dma_start3A_37 = tpu.memref_slice %arg4[%mul3A_18] : memref<8192xi32, #tpu.memory_space<hbm>> -> memref<1024xi32, #tpu.memory_space<hbm>>
      tpu.enqueue_dma source(%dma_start3A_37 : memref<1024xi32, #tpu.memory_space<hbm>>) target(%dma_start3A_36 : memref<1024xi32, #tpu.memory_space<vmem>>) target_semaphore(%run_scoped3A : memref<!tpu.dma_semaphore, #tpu.memory_space<semaphore_mem>>)
      %dma_wait3A = arith.constant 0 : i32
      %dma_wait3A_38 = tpu.memref_slice %arg12[%dma_wait3A] : memref<1040xi32, #tpu.memory_space<vmem>> -> memref<1024xi32, #tpu.memory_space<vmem>>
      %dma_wait3A_39 = tpu.memref_slice %arg4[%mul3A_18] : memref<8192xi32, #tpu.memory_space<hbm>> -> memref<1024xi32, #tpu.memory_space<hbm>>
      %dma_wait3A_40 = arith.constant 0 : i32
      %dma_wait3A_41 = tpu.memref_slice %arg12[%dma_wait3A_40] : memref<1040xi32, #tpu.memory_space<vmem>> -> memref<1024xi32, #tpu.memory_space<vmem>>
      %dma_wait3A_42 = tpu.memref_slice %arg4[%mul3A_18] : memref<8192xi32, #tpu.memory_space<hbm>> -> memref<1024xi32, #tpu.memory_space<hbm>>
      tpu.wait_dma2 semaphore(%run_scoped3A : memref<!tpu.dma_semaphore, #tpu.memory_space<semaphore_mem>>) src(%dma_wait3A_42 : memref<1024xi32, #tpu.memory_space<hbm>>) dst(%dma_wait3A_41 : memref<1024xi32, #tpu.memory_space<vmem>>)
      tpu.yield
    }) : () -> ()
    %broadcast_in_dim3A = arith.constant 0.000000e+00 : f32
    %broadcast_in_dim3A_19 = vector.broadcast %broadcast_in_dim3A : f32 to vector<16xf32>
    %broadcast_in_dim3A_20 = arith.constant 1.000000e+00 : f32
    %broadcast_in_dim3A_21 = vector.broadcast %broadcast_in_dim3A_20 : f32 to vector<16xf32>
    %iota3A = tpu.iota {dimensions = array<i32: 0>} : vector<16xi32>
    %scan3A = arith.constant 0 : i32
    %scan3A_22 = arith.constant 0 : i32
    %scan3A_23 = arith.constant 65 : i32
    %scan3A_24 = arith.addi %scan3A_22, %scan3A_23 : i32
    %scan3A_25 = arith.constant 1 : i32
    scf.for %scan3A_33 = %scan3A_22 to %scan3A_24 step %scan3A_25  : i32 {
      %broadcast_in_dim3A_34 = vector.broadcast %mul3A_18 : i32 to vector<16xi32>
      %mul3A_35 = arith.constant 16 : i32
      %mul3A_36 = arith.muli %scan3A_33, %mul3A_35 : i32
      %swap3A = arith.index_cast %mul3A_36 : i32 to index
      %swap3A_37 = tpu.vector_load %arg13[%swap3A] {strides = array<i32>} : memref<1040xi32, #tpu.memory_space<vmem>>, vector<16xi32>,
      tpu.vector_store %arg13[%swap3A], %broadcast_in_dim3A_34 {strides = array<i32>} : memref<1040xi32, #tpu.memory_space<vmem>>, vector<16xi32>,
    }
    %scan3A_26 = arith.constant 65 : i32
    %scan3A_27 = arith.constant 0 : i32
    %scan3A_28 = arith.constant 0 : i32
    %scan3A_29 = arith.constant 8 : i32
    %scan3A_30 = arith.addi %scan3A_28, %scan3A_29 : i32
    %scan3A_31 = arith.constant 1 : i32
    scf.for %scan3A_33 = %scan3A_28 to %scan3A_30 step %scan3A_31  : i32 {
      %jit3A_34 = arith.constant 4 : i32
      %eq3A = arith.constant 0 : i32
      %eq3A_35 = arith.cmpi eq, %jit3A_34, %eq3A : i32
      %jit3A_36 = arith.constant 1 : i32
      %select_n3A_37 = arith.select %eq3A_35, %jit3A_36, %jit3A_34 : i32
      %rem3A_38 = arith.remsi %add3A, %select_n3A_37 : i32
      %ne3A_39 = arith.constant 0 : i32
      %ne3A_40 = arith.cmpi ne, %rem3A_38, %ne3A_39 : i32
      %lt3A = arith.constant 0 : i32
      %lt3A_41 = arith.cmpi slt, %rem3A_38, %lt3A : i32
      %lt3A_42 = arith.constant 0 : i32
      %lt3A_43 = arith.cmpi slt, %select_n3A_37, %lt3A_42 : i32
      %ne3A_44 = arith.xori %lt3A_41, %lt3A_43 : i1
      %and3A_45 = arith.andi %ne3A_44, %ne3A_40 : i1
      %add3A_46 = arith.addi %rem3A_38, %select_n3A_37 : i32
      %select_n3A_47 = arith.select %and3A_45, %add3A_46, %rem3A_38 : i32
      %mul3A_48 = arith.constant 8 : i32
      %mul3A_49 = arith.muli %select_n3A_47, %mul3A_48 : i32
      %add3A_50 = arith.addi %mul3A_49, %scan3A_33 : i32
      %mul3A_51 = arith.constant 16 : i32
      %mul3A_52 = arith.muli %add3A_50, %mul3A_51 : i32
      %mul3A_53 = arith.constant 32 : i32
      %mul3A_54 = arith.muli %select_n3A, %mul3A_53 : i32
      %add3A_55 = arith.addi %mul3A_54, %add3A_50 : i32
      %scan3A_56 = arith.constant 0 : i32
      %scan3A_57 = arith.constant 0 : i32
      %scan3A_58 = arith.constant 512 : i32
      %scan3A_59 = arith.addi %scan3A_57, %scan3A_58 : i32
      %scan3A_60 = arith.constant 1 : i32
      scf.for %scan3A_109 = %scan3A_57 to %scan3A_59 step %scan3A_60  : i32 {
        %mul3A_110 = arith.constant 128 : i32
        %mul3A_111 = arith.muli %scan3A_109, %mul3A_110 : i32
        %add3A_112 = arith.constant 0 : i32
        %add3A_113 = arith.addi %mul3A_111, %add3A_112 : i32
        %swap3A = arith.index_cast %add3A_113 : i32 to index
        %swap3A_114 = tpu.vector_load %arg7[%swap3A] {strides = array<i32>} : memref<65536xf32, #tpu.memory_space<vmem>>, vector<16xf32>,
        tpu.vector_store %arg7[%swap3A], %broadcast_in_dim3A_19 {strides = array<i32>} : memref<65536xf32, #tpu.memory_space<vmem>>, vector<16xf32>,
        %mul3A_115 = arith.constant 128 : i32
        %mul3A_116 = arith.muli %scan3A_109, %mul3A_115 : i32
        %add3A_117 = arith.constant 16 : i32
        %add3A_118 = arith.addi %mul3A_116, %add3A_117 : i32
        %swap3A_119 = arith.index_cast %add3A_118 : i32 to index
        %swap3A_120 = tpu.vector_load %arg7[%swap3A_119] {strides = array<i32>} : memref<65536xf32, #tpu.memory_space<vmem>>, vector<16xf32>,
        tpu.vector_store %arg7[%swap3A_119], %broadcast_in_dim3A_19 {strides = array<i32>} : memref<65536xf32, #tpu.memory_space<vmem>>, vector<16xf32>,
        %mul3A_121 = arith.constant 128 : i32
        %mul3A_122 = arith.muli %scan3A_109, %mul3A_121 : i32
        %add3A_123 = arith.constant 32 : i32
        %add3A_124 = arith.addi %mul3A_122, %add3A_123 : i32
        %swap3A_125 = arith.index_cast %add3A_124 : i32 to index
        %swap3A_126 = tpu.vector_load %arg7[%swap3A_125] {strides = array<i32>} : memref<65536xf32, #tpu.memory_space<vmem>>, vector<16xf32>,
        tpu.vector_store %arg7[%swap3A_125], %broadcast_in_dim3A_19 {strides = array<i32>} : memref<65536xf32, #tpu.memory_space<vmem>>, vector<16xf32>,
        %mul3A_127 = arith.constant 128 : i32
        %mul3A_128 = arith.muli %scan3A_109, %mul3A_127 : i32
        %add3A_129 = arith.constant 48 : i32
        %add3A_130 = arith.addi %mul3A_128, %add3A_129 : i32
        %swap3A_131 = arith.index_cast %add3A_130 : i32 to index
        %swap3A_132 = tpu.vector_load %arg7[%swap3A_131] {strides = array<i32>} : memref<65536xf32, #tpu.memory_space<vmem>>, vector<16xf32>,
        tpu.vector_store %arg7[%swap3A_131], %broadcast_in_dim3A_19 {strides = array<i32>} : memref<65536xf32, #tpu.memory_space<vmem>>, vector<16xf32>,
        %mul3A_133 = arith.constant 128 : i32
        %mul3A_134 = arith.muli %scan3A_109, %mul3A_133 : i32
        %add3A_135 = arith.constant 64 : i32
        %add3A_136 = arith.addi %mul3A_134, %add3A_135 : i32
        %swap3A_137 = arith.index_cast %add3A_136 : i32 to index
        %swap3A_138 = tpu.vector_load %arg7[%swap3A_137] {strides = array<i32>} : memref<65536xf32, #tpu.memory_space<vmem>>, vector<16xf32>,
        tpu.vector_store %arg7[%swap3A_137], %broadcast_in_dim3A_19 {strides = array<i32>} : memref<65536xf32, #tpu.memory_space<vmem>>, vector<16xf32>,
        %mul3A_139 = arith.constant 128 : i32
        %mul3A_140 = arith.muli %scan3A_109, %mul3A_139 : i32
        %add3A_141 = arith.constant 80 : i32
        %add3A_142 = arith.addi %mul3A_140, %add3A_141 : i32
        %swap3A_143 = arith.index_cast %add3A_142 : i32 to index
        %swap3A_144 = tpu.vector_load %arg7[%swap3A_143] {strides = array<i32>} : memref<65536xf32, #tpu.memory_space<vmem>>, vector<16xf32>,
        tpu.vector_store %arg7[%swap3A_143], %broadcast_in_dim3A_19 {strides = array<i32>} : memref<65536xf32, #tpu.memory_space<vmem>>, vector<16xf32>,
        %mul3A_145 = arith.constant 128 : i32
        %mul3A_146 = arith.muli %scan3A_109, %mul3A_145 : i32
        %add3A_147 = arith.constant 96 : i32
        %add3A_148 = arith.addi %mul3A_146, %add3A_147 : i32
        %swap3A_149 = arith.index_cast %add3A_148 : i32 to index
        %swap3A_150 = tpu.vector_load %arg7[%swap3A_149] {strides = array<i32>} : memref<65536xf32, #tpu.memory_space<vmem>>, vector<16xf32>,
        tpu.vector_store %arg7[%swap3A_149], %broadcast_in_dim3A_19 {strides = array<i32>} : memref<65536xf32, #tpu.memory_space<vmem>>, vector<16xf32>,
        %mul3A_151 = arith.constant 128 : i32
        %mul3A_152 = arith.muli %scan3A_109, %mul3A_151 : i32
        %add3A_153 = arith.constant 112 : i32
        %add3A_154 = arith.addi %mul3A_152, %add3A_153 : i32
        %swap3A_155 = arith.index_cast %add3A_154 : i32 to index
        %swap3A_156 = tpu.vector_load %arg7[%swap3A_155] {strides = array<i32>} : memref<65536xf32, #tpu.memory_space<vmem>>, vector<16xf32>,
        tpu.vector_store %arg7[%swap3A_155], %broadcast_in_dim3A_19 {strides = array<i32>} : memref<65536xf32, #tpu.memory_space<vmem>>, vector<16xf32>,
      }
      %scan3A_61 = arith.constant 512 : i32
      %scan3A_62 = arith.constant 0 : i32
      %scan3A_63 = arith.constant 0 : i32
      %scan3A_64 = arith.constant 64 : i32
      %scan3A_65 = arith.addi %scan3A_63, %scan3A_64 : i32
      %scan3A_66 = arith.constant 1 : i32
      scf.for %scan3A_109 = %scan3A_63 to %scan3A_65 step %scan3A_66  : i32 {
        %mul3A_110 = arith.constant 128 : i32
        %mul3A_111 = arith.muli %scan3A_109, %mul3A_110 : i32
        %add3A_112 = arith.constant 0 : i32
        %add3A_113 = arith.addi %mul3A_111, %add3A_112 : i32
        %swap3A = arith.index_cast %add3A_113 : i32 to index
        %swap3A_114 = tpu.vector_load %arg8[%swap3A] {strides = array<i32>} : memref<8192xf32, #tpu.memory_space<vmem>>, vector<16xf32>,
        tpu.vector_store %arg8[%swap3A], %broadcast_in_dim3A_19 {strides = array<i32>} : memref<8192xf32, #tpu.memory_space<vmem>>, vector<16xf32>,
        %mul3A_115 = arith.constant 128 : i32
        %mul3A_116 = arith.muli %scan3A_109, %mul3A_115 : i32
        %add3A_117 = arith.constant 16 : i32
        %add3A_118 = arith.addi %mul3A_116, %add3A_117 : i32
        %swap3A_119 = arith.index_cast %add3A_118 : i32 to index
        %swap3A_120 = tpu.vector_load %arg8[%swap3A_119] {strides = array<i32>} : memref<8192xf32, #tpu.memory_space<vmem>>, vector<16xf32>,
        tpu.vector_store %arg8[%swap3A_119], %broadcast_in_dim3A_19 {strides = array<i32>} : memref<8192xf32, #tpu.memory_space<vmem>>, vector<16xf32>,
        %mul3A_121 = arith.constant 128 : i32
        %mul3A_122 = arith.muli %scan3A_109, %mul3A_121 : i32
        %add3A_123 = arith.constant 32 : i32
        %add3A_124 = arith.addi %mul3A_122, %add3A_123 : i32
        %swap3A_125 = arith.index_cast %add3A_124 : i32 to index
        %swap3A_126 = tpu.vector_load %arg8[%swap3A_125] {strides = array<i32>} : memref<8192xf32, #tpu.memory_space<vmem>>, vector<16xf32>,
        tpu.vector_store %arg8[%swap3A_125], %broadcast_in_dim3A_19 {strides = array<i32>} : memref<8192xf32, #tpu.memory_space<vmem>>, vector<16xf32>,
        %mul3A_127 = arith.constant 128 : i32
        %mul3A_128 = arith.muli %scan3A_109, %mul3A_127 : i32
        %add3A_129 = arith.constant 48 : i32
        %add3A_130 = arith.addi %mul3A_128, %add3A_129 : i32
        %swap3A_131 = arith.index_cast %add3A_130 : i32 to index
        %swap3A_132 = tpu.vector_load %arg8[%swap3A_131] {strides = array<i32>} : memref<8192xf32, #tpu.memory_space<vmem>>, vector<16xf32>,
        tpu.vector_store %arg8[%swap3A_131], %broadcast_in_dim3A_19 {strides = array<i32>} : memref<8192xf32, #tpu.memory_space<vmem>>, vector<16xf32>,
        %mul3A_133 = arith.constant 128 : i32
        %mul3A_134 = arith.muli %scan3A_109, %mul3A_133 : i32
        %add3A_135 = arith.constant 64 : i32
        %add3A_136 = arith.addi %mul3A_134, %add3A_135 : i32
        %swap3A_137 = arith.index_cast %add3A_136 : i32 to index
        %swap3A_138 = tpu.vector_load %arg8[%swap3A_137] {strides = array<i32>} : memref<8192xf32, #tpu.memory_space<vmem>>, vector<16xf32>,
        tpu.vector_store %arg8[%swap3A_137], %broadcast_in_dim3A_19 {strides = array<i32>} : memref<8192xf32, #tpu.memory_space<vmem>>, vector<16xf32>,
        %mul3A_139 = arith.constant 128 : i32
        %mul3A_140 = arith.muli %scan3A_109, %mul3A_139 : i32
        %add3A_141 = arith.constant 80 : i32
        %add3A_142 = arith.addi %mul3A_140, %add3A_141 : i32
        %swap3A_143 = arith.index_cast %add3A_142 : i32 to index
        %swap3A_144 = tpu.vector_load %arg8[%swap3A_143] {strides = array<i32>} : memref<8192xf32, #tpu.memory_space<vmem>>, vector<16xf32>,
        tpu.vector_store %arg8[%swap3A_143], %broadcast_in_dim3A_19 {strides = array<i32>} : memref<8192xf32, #tpu.memory_space<vmem>>, vector<16xf32>,
        %mul3A_145 = arith.constant 128 : i32
        %mul3A_146 = arith.muli %scan3A_109, %mul3A_145 : i32
        %add3A_147 = arith.constant 96 : i32
        %add3A_148 = arith.addi %mul3A_146, %add3A_147 : i32
        %swap3A_149 = arith.index_cast %add3A_148 : i32 to index
        %swap3A_150 = tpu.vector_load %arg8[%swap3A_149] {strides = array<i32>} : memref<8192xf32, #tpu.memory_space<vmem>>, vector<16xf32>,
        tpu.vector_store %arg8[%swap3A_149], %broadcast_in_dim3A_19 {strides = array<i32>} : memref<8192xf32, #tpu.memory_space<vmem>>, vector<16xf32>,
        %mul3A_151 = arith.constant 128 : i32
        %mul3A_152 = arith.muli %scan3A_109, %mul3A_151 : i32
        %add3A_153 = arith.constant 112 : i32
        %add3A_154 = arith.addi %mul3A_152, %add3A_153 : i32
        %swap3A_155 = arith.index_cast %add3A_154 : i32 to index
        %swap3A_156 = tpu.vector_load %arg8[%swap3A_155] {strides = array<i32>} : memref<8192xf32, #tpu.memory_space<vmem>>, vector<16xf32>,
        tpu.vector_store %arg8[%swap3A_155], %broadcast_in_dim3A_19 {strides = array<i32>} : memref<8192xf32, #tpu.memory_space<vmem>>, vector<16xf32>,
      }
      %scan3A_67 = arith.constant 64 : i32
      %scan3A_68 = arith.constant 0 : i32
      %scan3A_69 = arith.constant 0 : i32
      %scan3A_70 = arith.constant 64 : i32
      %scan3A_71 = arith.addi %scan3A_69, %scan3A_70 : i32
      %scan3A_72 = arith.constant 1 : i32
      %scan3A_73 = scf.for %scan3A_109 = %scan3A_69 to %scan3A_71 step %scan3A_72 iter_args(%scan3A_110 = %scan3A_68) -> (i32)  : i32 {
        %mul3A_111 = arith.constant 16 : i32
        %mul3A_112 = arith.muli %scan3A_109, %mul3A_111 : i32
        %get3A = arith.index_cast %mul3A_112 : i32 to index
        %get3A_113 = tpu.vector_load %arg11[%get3A] {strides = array<i32>} : memref<1040xi32, #tpu.memory_space<vmem>>, vector<16xi32>,
        %mul3A_114 = arith.constant 16 : i32
        %mul3A_115 = arith.muli %scan3A_109, %mul3A_114 : i32
        %get3A_116 = arith.index_cast %mul3A_115 : i32 to index
        %get3A_117 = tpu.vector_load %arg12[%get3A_116] {strides = array<i32>} : memref<1040xi32, #tpu.memory_space<vmem>>, vector<16xi32>,
        %sub3A_118 = arith.constant 15 : i32
        %sub3A_119 = arith.subi %mul3A_52, %sub3A_118 : i32
        %ge3A = vector.broadcast %sub3A_119 : i32 to vector<16xi32>
        %ge3A_120 = arith.cmpi sge, %get3A_113, %ge3A : vector<16xi32>
        %add3A_121 = arith.constant 15 : i32
        %add3A_122 = arith.addi %mul3A_52, %add3A_121 : i32
        %le3A = vector.broadcast %add3A_122 : i32 to vector<16xi32>
        %le3A_123 = arith.cmpi sle, %get3A_113, %le3A : vector<16xi32>
        %and3A_124 = arith.andi %ge3A_120, %le3A_123 : vector<16xi1>
        %jit3A_125 = arith.constant 1 : i32
        %jit3A_126 = arith.constant 0 : i32
        %broadcast_in_dim3A_127 = vector.broadcast %jit3A_125 : i32 to vector<16xi32>
        %broadcast_in_dim3A_128 = vector.broadcast %jit3A_126 : i32 to vector<16xi32>
        %select_n3A_129 = arith.select %and3A_124, %broadcast_in_dim3A_127, %broadcast_in_dim3A_128 : vector<16xi1>, vector<16xi32>
        %sub3A_130 = arith.constant 1 : i32
        %sub3A_131 = vector.broadcast %sub3A_130 : i32 to vector<16xi32>
        %sub3A_132 = arith.subi %iota3A, %sub3A_131 : vector<16xi32>
        %max3A = arith.constant 0 : i32
        %max3A_133 = vector.broadcast %max3A : i32 to vector<16xi32>
        %max3A_134 = arith.maxsi %sub3A_132, %max3A_133 : vector<16xi32>
        %lt3A_135 = arith.constant 0 : i32
        %lt3A_136 = vector.broadcast %lt3A_135 : i32 to vector<16xi32>
        %lt3A_137 = arith.cmpi slt, %max3A_134, %lt3A_136 : vector<16xi32>
        %add3A_138 = arith.constant 16 : i32
        %add3A_139 = vector.broadcast %add3A_138 : i32 to vector<16xi32>
        %add3A_140 = arith.addi %max3A_134, %add3A_139 : vector<16xi32>
        %select_n3A_141 = arith.select %lt3A_137, %add3A_140, %max3A_134 : vector<16xi1>, vector<16xi32>
        %broadcast_in_dim3A_142 = vector.shape_cast %select_n3A_141 : vector<16xi32> to vector<16x1xi32>
        %gather3A = vector.shape_cast %broadcast_in_dim3A_142 : vector<16x1xi32> to vector<16xi32>
        %gather3A_143 = tpu.dynamic_gather %select_n3A_129[%gather3A] in [0] : vector<16xi32>, vector<16xi32> -> vector<16xi32>
        %ge3A_144 = arith.constant 1 : i32
        %ge3A_145 = vector.broadcast %ge3A_144 : i32 to vector<16xi32>
        %ge3A_146 = arith.cmpi sge, %iota3A, %ge3A_145 : vector<16xi32>
        %jit3A_147 = arith.constant 0 : i32
        %broadcast_in_dim3A_148 = vector.broadcast %jit3A_147 : i32 to vector<16xi32>
        %select_n3A_149 = arith.select %ge3A_146, %gather3A_143, %broadcast_in_dim3A_148 : vector<16xi1>, vector<16xi32>
        %add3A_150 = arith.addi %select_n3A_129, %select_n3A_149 : vector<16xi32>
        %sub3A_151 = arith.constant 2 : i32
        %sub3A_152 = vector.broadcast %sub3A_151 : i32 to vector<16xi32>
        %sub3A_153 = arith.subi %iota3A, %sub3A_152 : vector<16xi32>
        %max3A_154 = arith.constant 0 : i32
        %max3A_155 = vector.broadcast %max3A_154 : i32 to vector<16xi32>
        %max3A_156 = arith.maxsi %sub3A_153, %max3A_155 : vector<16xi32>
        %lt3A_157 = arith.constant 0 : i32
        %lt3A_158 = vector.broadcast %lt3A_157 : i32 to vector<16xi32>
        %lt3A_159 = arith.cmpi slt, %max3A_156, %lt3A_158 : vector<16xi32>
        %add3A_160 = arith.constant 16 : i32
        %add3A_161 = vector.broadcast %add3A_160 : i32 to vector<16xi32>
        %add3A_162 = arith.addi %max3A_156, %add3A_161 : vector<16xi32>
        %select_n3A_163 = arith.select %lt3A_159, %add3A_162, %max3A_156 : vector<16xi1>, vector<16xi32>
        %broadcast_in_dim3A_164 = vector.shape_cast %select_n3A_163 : vector<16xi32> to vector<16x1xi32>
        %gather3A_165 = vector.shape_cast %broadcast_in_dim3A_164 : vector<16x1xi32> to vector<16xi32>
        %gather3A_166 = tpu.dynamic_gather %add3A_150[%gather3A_165] in [0] : vector<16xi32>, vector<16xi32> -> vector<16xi32>
        %ge3A_167 = arith.constant 2 : i32
        %ge3A_168 = vector.broadcast %ge3A_167 : i32 to vector<16xi32>
        %ge3A_169 = arith.cmpi sge, %iota3A, %ge3A_168 : vector<16xi32>
        %jit3A_170 = arith.constant 0 : i32
        %broadcast_in_dim3A_171 = vector.broadcast %jit3A_170 : i32 to vector<16xi32>
        %select_n3A_172 = arith.select %ge3A_169, %gather3A_166, %broadcast_in_dim3A_171 : vector<16xi1>, vector<16xi32>
        %add3A_173 = arith.addi %add3A_150, %select_n3A_172 : vector<16xi32>
        %sub3A_174 = arith.constant 4 : i32
        %sub3A_175 = vector.broadcast %sub3A_174 : i32 to vector<16xi32>
        %sub3A_176 = arith.subi %iota3A, %sub3A_175 : vector<16xi32>
        %max3A_177 = arith.constant 0 : i32
        %max3A_178 = vector.broadcast %max3A_177 : i32 to vector<16xi32>
        %max3A_179 = arith.maxsi %sub3A_176, %max3A_178 : vector<16xi32>
        %lt3A_180 = arith.constant 0 : i32
        %lt3A_181 = vector.broadcast %lt3A_180 : i32 to vector<16xi32>
        %lt3A_182 = arith.cmpi slt, %max3A_179, %lt3A_181 : vector<16xi32>
        %add3A_183 = arith.constant 16 : i32
        %add3A_184 = vector.broadcast %add3A_183 : i32 to vector<16xi32>
        %add3A_185 = arith.addi %max3A_179, %add3A_184 : vector<16xi32>
        %select_n3A_186 = arith.select %lt3A_182, %add3A_185, %max3A_179 : vector<16xi1>, vector<16xi32>
        %broadcast_in_dim3A_187 = vector.shape_cast %select_n3A_186 : vector<16xi32> to vector<16x1xi32>
        %gather3A_188 = vector.shape_cast %broadcast_in_dim3A_187 : vector<16x1xi32> to vector<16xi32>
        %gather3A_189 = tpu.dynamic_gather %add3A_173[%gather3A_188] in [0] : vector<16xi32>, vector<16xi32> -> vector<16xi32>
        %ge3A_190 = arith.constant 4 : i32
        %ge3A_191 = vector.broadcast %ge3A_190 : i32 to vector<16xi32>
        %ge3A_192 = arith.cmpi sge, %iota3A, %ge3A_191 : vector<16xi32>
        %jit3A_193 = arith.constant 0 : i32
        %broadcast_in_dim3A_194 = vector.broadcast %jit3A_193 : i32 to vector<16xi32>
        %select_n3A_195 = arith.select %ge3A_192, %gather3A_189, %broadcast_in_dim3A_194 : vector<16xi1>, vector<16xi32>
        %add3A_196 = arith.addi %add3A_173, %select_n3A_195 : vector<16xi32>
        %sub3A_197 = arith.constant 8 : i32
        %sub3A_198 = vector.broadcast %sub3A_197 : i32 to vector<16xi32>
        %sub3A_199 = arith.subi %iota3A, %sub3A_198 : vector<16xi32>
        %max3A_200 = arith.constant 0 : i32
        %max3A_201 = vector.broadcast %max3A_200 : i32 to vector<16xi32>
        %max3A_202 = arith.maxsi %sub3A_199, %max3A_201 : vector<16xi32>
        %lt3A_203 = arith.constant 0 : i32
        %lt3A_204 = vector.broadcast %lt3A_203 : i32 to vector<16xi32>
        %lt3A_205 = arith.cmpi slt, %max3A_202, %lt3A_204 : vector<16xi32>
        %add3A_206 = arith.constant 16 : i32
        %add3A_207 = vector.broadcast %add3A_206 : i32 to vector<16xi32>
        %add3A_208 = arith.addi %max3A_202, %add3A_207 : vector<16xi32>
        %select_n3A_209 = arith.select %lt3A_205, %add3A_208, %max3A_202 : vector<16xi1>, vector<16xi32>
        %broadcast_in_dim3A_210 = vector.shape_cast %select_n3A_209 : vector<16xi32> to vector<16x1xi32>
        %gather3A_211 = vector.shape_cast %broadcast_in_dim3A_210 : vector<16x1xi32> to vector<16xi32>
        %gather3A_212 = tpu.dynamic_gather %add3A_196[%gather3A_211] in [0] : vector<16xi32>, vector<16xi32> -> vector<16xi32>
        %ge3A_213 = arith.constant 8 : i32
        %ge3A_214 = vector.broadcast %ge3A_213 : i32 to vector<16xi32>
        %ge3A_215 = arith.cmpi sge, %iota3A, %ge3A_214 : vector<16xi32>
        %jit3A_216 = arith.constant 0 : i32
        %broadcast_in_dim3A_217 = vector.broadcast %jit3A_216 : i32 to vector<16xi32>
        %select_n3A_218 = arith.select %ge3A_215, %gather3A_212, %broadcast_in_dim3A_217 : vector<16xi1>, vector<16xi32>
        %add3A_219 = arith.addi %add3A_196, %select_n3A_218 : vector<16xi32>
        %add3A_220 = vector.broadcast %scan3A_110 : i32 to vector<16xi32>
        %add3A_221 = arith.addi %add3A_220, %add3A_219 : vector<16xi32>
        %sub3A_222 = arith.constant 1 : i32
        %sub3A_223 = vector.broadcast %sub3A_222 : i32 to vector<16xi32>
        %sub3A_224 = arith.subi %add3A_221, %sub3A_223 : vector<16xi32>
        %mul3A_225 = arith.constant 16 : i32
        %mul3A_226 = arith.muli %scan3A_109, %mul3A_225 : i32
        %add3A_227 = arith.addi %mul3A_18, %mul3A_226 : i32
        %add3A_228 = vector.broadcast %add3A_227 : i32 to vector<16xi32>
        %add3A_229 = arith.addi %add3A_228, %iota3A : vector<16xi32>
        tpu.vector_store_idx %arg13[%sub3A_224], %add3A_229 masked %and3A_124 : memref<1040xi32, #tpu.memory_space<vmem>>[vector<16xi32>], vector<16xi32>, vector<16xi1>
        tpu.vector_store_idx %arg14[%sub3A_224], %get3A_113 masked %and3A_124 : memref<1040xi32, #tpu.memory_space<vmem>>[vector<16xi32>], vector<16xi32>, vector<16xi1>
        tpu.vector_store_idx %arg15[%sub3A_224], %get3A_117 masked %and3A_124 : memref<1040xi32, #tpu.memory_space<vmem>>[vector<16xi32>], vector<16xi32>, vector<16xi1>
        %slice3A = vector.extract_strided_slice %add3A_219 {offsets = [15], sizes = [1], strides = [1]} : vector<16xi32> to vector<1xi32>
        %squeeze3A = vector.extract %slice3A[0] : i32 from vector<1xi32>
        %add3A_230 = arith.addi %scan3A_110, %squeeze3A : i32
        scf.yield %add3A_230 : i32
      }
      %scan3A_74 = arith.constant 64 : i32
      %add3A_75 = arith.constant 8 : i32
      %add3A_76 = arith.addi %scan3A_73, %add3A_75 : i32
      %sub3A_77 = arith.constant 1 : i32
      %sub3A_78 = arith.subi %add3A_76, %sub3A_77 : i32
      %jit3A_79 = arith.constant 8 : i32
      %div3A_80 = arith.divsi %sub3A_78, %jit3A_79 : i32
      %sign3A_81 = arith.constant 0 : i32
      %sign3A_82 = arith.cmpi sgt, %sub3A_78, %sign3A_81 : i32
      %sign3A_83 = arith.extui %sign3A_82 : i1 to i32
      %sign3A_84 = arith.constant 0 : i32
      %sign3A_85 = arith.cmpi slt, %sub3A_78, %sign3A_84 : i32
      %sign3A_86 = arith.extui %sign3A_85 : i1 to i32
      %sign3A_87 = arith.subi %sign3A_83, %sign3A_86 : i32
      %sign3A_88 = arith.constant 0 : i32
      %sign3A_89 = arith.cmpi sgt, %jit3A_79, %sign3A_88 : i32
      %sign3A_90 = arith.extui %sign3A_89 : i1 to i32
      %sign3A_91 = arith.constant 0 : i32
      %sign3A_92 = arith.cmpi slt, %jit3A_79, %sign3A_91 : i32
      %sign3A_93 = arith.extui %sign3A_92 : i1 to i32
      %sign3A_94 = arith.subi %sign3A_90, %sign3A_93 : i32
      %ne3A_95 = arith.cmpi ne, %sign3A_87, %sign3A_94 : i32
      %rem3A_96 = arith.remsi %sub3A_78, %jit3A_79 : i32
      %ne3A_97 = arith.constant 0 : i32
      %ne3A_98 = arith.cmpi ne, %rem3A_96, %ne3A_97 : i32
      %and3A_99 = arith.andi %ne3A_95, %ne3A_98 : i1
      %sub3A_100 = arith.constant 1 : i32
      %sub3A_101 = arith.subi %div3A_80, %sub3A_100 : i32
      %select_n3A_102 = arith.select %and3A_99, %sub3A_101, %div3A_80 : i32
      %gt3A = arith.constant 0 : i32
      %gt3A_103 = arith.cmpi sgt, %select_n3A_102, %gt3A : i32
      %convert_element_type3A = arith.extui %gt3A_103 : i1 to i32
      %cond3A = arith.constant 0 : i32
      %cond3A_104 = arith.cmpi ne, %convert_element_type3A, %cond3A : i32
      scf.if %cond3A_104 {
        %dma_start3A = arith.constant 0 : i32
        %dma_start3A_109 = tpu.memref_slice %arg13[%dma_start3A] : memref<1040xi32, #tpu.memory_space<vmem>> -> memref<8xi32, #tpu.memory_space<vmem>>
        %dma_start3A_110 = arith.constant 0 : i32
        %dma_start3A_111 = arith.constant 0 : i32
        %dma_start3A_112 = tpu.memref_slice %arg2[%dma_start3A_110, %dma_start3A_111] : memref<8192x2048xf32, #tpu.memory_space<hbm>> -> memref<8192x2048xf32, #tpu.memory_space<hbm>>
        tpu.enqueue_indirect_dma source(%dma_start3A_112 : memref<8192x2048xf32, #tpu.memory_space<hbm>>) target(%arg9 : memref<8x2048xf32, #tpu.memory_space<vmem>>) offsets(%dma_start3A_109 : memref<8xi32, #tpu.memory_space<vmem>>) semaphore(%arg16 : memref<!tpu.dma_semaphore, #tpu.memory_space<semaphore_mem>>)
        %add3A_113 = arith.constant 1 : i32
        %add3A_114 = arith.addi %select_n3A_102, %add3A_113 : i32
        %jit3A_115 = arith.constant 2 : i32
        %div3A_116 = arith.divsi %add3A_114, %jit3A_115 : i32
        %sign3A_117 = arith.constant 0 : i32
        %sign3A_118 = arith.cmpi sgt, %add3A_114, %sign3A_117 : i32
        %sign3A_119 = arith.extui %sign3A_118 : i1 to i32
        %sign3A_120 = arith.constant 0 : i32
        %sign3A_121 = arith.cmpi slt, %add3A_114, %sign3A_120 : i32
        %sign3A_122 = arith.extui %sign3A_121 : i1 to i32
        %sign3A_123 = arith.subi %sign3A_119, %sign3A_122 : i32
        %sign3A_124 = arith.constant 0 : i32
        %sign3A_125 = arith.cmpi sgt, %jit3A_115, %sign3A_124 : i32
        %sign3A_126 = arith.extui %sign3A_125 : i1 to i32
        %sign3A_127 = arith.constant 0 : i32
        %sign3A_128 = arith.cmpi slt, %jit3A_115, %sign3A_127 : i32
        %sign3A_129 = arith.extui %sign3A_128 : i1 to i32
        %sign3A_130 = arith.subi %sign3A_126, %sign3A_129 : i32
        %ne3A_131 = arith.cmpi ne, %sign3A_123, %sign3A_130 : i32
        %rem3A_132 = arith.remsi %add3A_114, %jit3A_115 : i32
        %ne3A_133 = arith.constant 0 : i32
        %ne3A_134 = arith.cmpi ne, %rem3A_132, %ne3A_133 : i32
        %and3A_135 = arith.andi %ne3A_131, %ne3A_134 : i1
        %sub3A_136 = arith.constant 1 : i32
        %sub3A_137 = arith.subi %div3A_116, %sub3A_136 : i32
        %select_n3A_138 = arith.select %and3A_135, %sub3A_137, %div3A_116 : i32
        %while3A = arith.constant 0 : i32
        %while3A_139 = arith.constant 0 : i32
        %while3A_140 = arith.subi %select_n3A_138, %while3A_139 : i32
        %while3A_141 = arith.addi %while3A_139, %while3A_140 : i32
        %while3A_142 = arith.constant 1 : i32
        %while3A_143 = arith.divsi %while3A_140, %while3A_142 : i32
        %while3A_144 = arith.muli %while3A_143, %while3A_142 : i32
        %while3A_145 = arith.addi %while3A_139, %while3A_144 : i32
        %while3A_146 = arith.constant 1 : i32
        scf.for %while3A_148 = %while3A_139 to %while3A_145 step %while3A_146  : i32 {
          %mul3A_149 = arith.constant 2 : i32
          %mul3A_150 = arith.muli %mul3A_149, %while3A_148 : i32
          %add3A_151 = arith.constant 1 : i32
          %add3A_152 = arith.addi %mul3A_150, %add3A_151 : i32
          %lt3A_153 = arith.cmpi slt, %add3A_152, %select_n3A_102 : i32
          %convert_element_type3A_154 = arith.extui %lt3A_153 : i1 to i32
          %cond3A_155 = arith.constant 0 : i32
          %cond3A_156 = arith.cmpi ne, %convert_element_type3A_154, %cond3A_155 : i32
          scf.if %cond3A_156 {
            %mul3A_172 = arith.constant 8 : i32
            %mul3A_173 = arith.muli %add3A_152, %mul3A_172 : i32
            %dma_start3A_174 = tpu.memref_slice %arg13[%mul3A_173] : memref<1040xi32, #tpu.memory_space<vmem>> -> memref<8xi32, #tpu.memory_space<vmem>>
            %dma_start3A_175 = arith.constant 0 : i32
            %dma_start3A_176 = arith.constant 0 : i32
            %dma_start3A_177 = tpu.memref_slice %arg2[%dma_start3A_175, %dma_start3A_176] : memref<8192x2048xf32, #tpu.memory_space<hbm>> -> memref<8192x2048xf32, #tpu.memory_space<hbm>>
            tpu.enqueue_indirect_dma source(%dma_start3A_177 : memref<8192x2048xf32, #tpu.memory_space<hbm>>) target(%arg10 : memref<8x2048xf32, #tpu.memory_space<vmem>>) offsets(%dma_start3A_174 : memref<8xi32, #tpu.memory_space<vmem>>) semaphore(%arg17 : memref<!tpu.dma_semaphore, #tpu.memory_space<semaphore_mem>>)
          } else {
          }
          %mul3A_157 = arith.constant 8 : i32
          %mul3A_158 = arith.muli %mul3A_150, %mul3A_157 : i32
          %dma_wait3A = tpu.memref_slice %arg13[%mul3A_158] : memref<1040xi32, #tpu.memory_space<vmem>> -> memref<8xi32, #tpu.memory_space<vmem>>
          %dma_wait3A_159 = arith.constant 0 : i32
          %dma_wait3A_160 = arith.constant 0 : i32
          %dma_wait3A_161 = tpu.memref_slice %arg2[%dma_wait3A_159, %dma_wait3A_160] : memref<8192x2048xf32, #tpu.memory_space<hbm>> -> memref<8192x2048xf32, #tpu.memory_space<hbm>>
          tpu.wait_indirect_dma semaphore(%arg16 : memref<!tpu.dma_semaphore, #tpu.memory_space<semaphore_mem>>) src(%dma_wait3A_161 : memref<8192x2048xf32, #tpu.memory_space<hbm>>) dst(%arg9 : memref<8x2048xf32, #tpu.memory_space<vmem>>)
          %scan3A_162 = arith.constant 0 : i32
          %scan3A_163 = arith.constant 0 : i32
          %scan3A_164 = arith.constant 8 : i32
          %scan3A_165 = arith.addi %scan3A_163, %scan3A_164 : i32
          %scan3A_166 = arith.constant 1 : i32
          scf.for %scan3A_172 = %scan3A_163 to %scan3A_165 step %scan3A_166  : i32 {
            %mul3A_173 = arith.constant 8 : i32
            %mul3A_174 = arith.muli %mul3A_150, %mul3A_173 : i32
            %add3A_175 = arith.addi %mul3A_174, %scan3A_172 : i32
            %lt3A_176 = arith.cmpi slt, %add3A_175, %scan3A_73 : i32
            %convert_element_type3A_177 = arith.extui %lt3A_176 : i1 to i32
            %cond3A_178 = arith.constant 0 : i32
            %cond3A_179 = arith.cmpi ne, %convert_element_type3A_177, %cond3A_178 : i32
            scf.if %cond3A_179 {
              %get3A = arith.index_cast %add3A_175 : i32 to index
              %get3A_180 = tpu.vector_load %arg14[%get3A] {strides = array<i32>} : memref<1040xi32, #tpu.memory_space<vmem>>, vector<16xi32>,
              %slice3A = vector.extract_strided_slice %get3A_180 {offsets = [0], sizes = [1], strides = [1]} : vector<16xi32> to vector<1xi32>
              %squeeze3A = vector.extract %slice3A[0] : i32 from vector<1xi32>
              %get3A_181 = arith.index_cast %add3A_175 : i32 to index
              %get3A_182 = tpu.vector_load %arg15[%get3A_181] {strides = array<i32>} : memref<1040xi32, #tpu.memory_space<vmem>>, vector<16xi32>,
              %slice3A_183 = vector.extract_strided_slice %get3A_182 {offsets = [0], sizes = [1], strides = [1]} : vector<16xi32> to vector<1xi32>
              %squeeze3A_184 = vector.extract %slice3A_183[0] : i32 from vector<1xi32>
              %max3A = arith.maxsi %squeeze3A, %mul3A_52 : i32
              %add3A_185 = arith.constant 16 : i32
              %add3A_186 = arith.addi %squeeze3A, %add3A_185 : i32
              %add3A_187 = arith.constant 16 : i32
              %add3A_188 = arith.addi %mul3A_52, %add3A_187 : i32
              %min3A = arith.minsi %add3A_186, %add3A_188 : i32
              %while3A_189 = arith.constant 0 : i32
              %while3A_190 = arith.subi %min3A, %max3A : i32
              %while3A_191 = arith.addi %max3A, %while3A_190 : i32
              %while3A_192 = arith.constant 1 : i32
              %while3A_193 = arith.divsi %while3A_190, %while3A_192 : i32
              %while3A_194 = arith.muli %while3A_193, %while3A_192 : i32
              %while3A_195 = arith.addi %max3A, %while3A_194 : i32
              %while3A_196 = arith.constant 1 : i32
              scf.for %while3A_198 = %max3A to %while3A_195 step %while3A_196  : i32 {
                %sub3A_199 = arith.subi %while3A_198, %mul3A_52 : i32
                %sub3A_200 = arith.subi %while3A_198, %squeeze3A : i32
                %mul3A_201 = arith.constant 512 : i32
                %mul3A_202 = arith.muli %sub3A_199, %mul3A_201 : i32
                %add3A_203 = arith.addi %mul3A_202, %squeeze3A_184 : i32
                %swap3A = arith.index_cast %add3A_203 : i32 to index
                %swap3A_204 = tpu.vector_load %arg8[%swap3A] {strides = array<i32>} : memref<8192xf32, #tpu.memory_space<vmem>>, vector<16xf32>,
                tpu.vector_store %arg8[%swap3A], %broadcast_in_dim3A_21 {add = true, strides = array<i32>} : memref<8192xf32, #tpu.memory_space<vmem>>, vector<16xf32>,
                %add3A_205 = arith.constant 0 : i32
                %add3A_206 = arith.addi %add3A_205, %sub3A_200 : i32
                %mul3A_207 = arith.constant 16 : i32
                %mul3A_208 = arith.muli %add3A_206, %mul3A_207 : i32
                %get3A_209 = arith.index_cast %scan3A_172 : i32 to index
                %get3A_210 = arith.index_cast %mul3A_208 : i32 to index
                %get3A_211 = tpu.vector_load %arg9[%get3A_209, %get3A_210] {strides = array<i32>} : memref<8x2048xf32, #tpu.memory_space<vmem>>, vector<16xf32>,
                %add3A_212 = arith.constant 0 : i32
                %add3A_213 = arith.addi %add3A_212, %sub3A_199 : i32
                %mul3A_214 = arith.constant 512 : i32
                %mul3A_215 = arith.muli %add3A_213, %mul3A_214 : i32
                %add3A_216 = arith.addi %mul3A_215, %squeeze3A_184 : i32
                %swap3A_217 = arith.index_cast %add3A_216 : i32 to index
                %swap3A_218 = tpu.vector_load %arg7[%swap3A_217] {strides = array<i32>} : memref<65536xf32, #tpu.memory_space<vmem>>, vector<16xf32>,
                tpu.vector_store %arg7[%swap3A_217], %get3A_211 {add = true, strides = array<i32>} : memref<65536xf32, #tpu.memory_space<vmem>>, vector<16xf32>,
                %add3A_219 = arith.constant 16 : i32
                %add3A_220 = arith.addi %add3A_219, %sub3A_200 : i32
                %mul3A_221 = arith.constant 16 : i32
                %mul3A_222 = arith.muli %add3A_220, %mul3A_221 : i32
                %get3A_223 = arith.index_cast %scan3A_172 : i32 to index
                %get3A_224 = arith.index_cast %mul3A_222 : i32 to index
                %get3A_225 = tpu.vector_load %arg9[%get3A_223, %get3A_224] {strides = array<i32>} : memref<8x2048xf32, #tpu.memory_space<vmem>>, vector<16xf32>,
                %add3A_226 = arith.constant 16 : i32
                %add3A_227 = arith.addi %add3A_226, %sub3A_199 : i32
                %mul3A_228 = arith.constant 512 : i32
                %mul3A_229 = arith.muli %add3A_227, %mul3A_228 : i32
                %add3A_230 = arith.addi %mul3A_229, %squeeze3A_184 : i32
                %swap3A_231 = arith.index_cast %add3A_230 : i32 to index
                %swap3A_232 = tpu.vector_load %arg7[%swap3A_231] {strides = array<i32>} : memref<65536xf32, #tpu.memory_space<vmem>>, vector<16xf32>,
                tpu.vector_store %arg7[%swap3A_231], %get3A_225 {add = true, strides = array<i32>} : memref<65536xf32, #tpu.memory_space<vmem>>, vector<16xf32>,
                %add3A_233 = arith.constant 32 : i32
                %add3A_234 = arith.addi %add3A_233, %sub3A_200 : i32
                %mul3A_235 = arith.constant 16 : i32
                %mul3A_236 = arith.muli %add3A_234, %mul3A_235 : i32
                %get3A_237 = arith.index_cast %scan3A_172 : i32 to index
                %get3A_238 = arith.index_cast %mul3A_236 : i32 to index
                %get3A_239 = tpu.vector_load %arg9[%get3A_237, %get3A_238] {strides = array<i32>} : memref<8x2048xf32, #tpu.memory_space<vmem>>, vector<16xf32>,
                %add3A_240 = arith.constant 32 : i32
                %add3A_241 = arith.addi %add3A_240, %sub3A_199 : i32
                %mul3A_242 = arith.constant 512 : i32
                %mul3A_243 = arith.muli %add3A_241, %mul3A_242 : i32
                %add3A_244 = arith.addi %mul3A_243, %squeeze3A_184 : i32
                %swap3A_245 = arith.index_cast %add3A_244 : i32 to index
                %swap3A_246 = tpu.vector_load %arg7[%swap3A_245] {strides = array<i32>} : memref<65536xf32, #tpu.memory_space<vmem>>, vector<16xf32>,
                tpu.vector_store %arg7[%swap3A_245], %get3A_239 {add = true, strides = array<i32>} : memref<65536xf32, #tpu.memory_space<vmem>>, vector<16xf32>,
                %add3A_247 = arith.constant 48 : i32
                %add3A_248 = arith.addi %add3A_247, %sub3A_200 : i32
                %mul3A_249 = arith.constant 16 : i32
                %mul3A_250 = arith.muli %add3A_248, %mul3A_249 : i32
                %get3A_251 = arith.index_cast %scan3A_172 : i32 to index
                %get3A_252 = arith.index_cast %mul3A_250 : i32 to index
                %get3A_253 = tpu.vector_load %arg9[%get3A_251, %get3A_252] {strides = array<i32>} : memref<8x2048xf32, #tpu.memory_space<vmem>>, vector<16xf32>,
                %add3A_254 = arith.constant 48 : i32
                %add3A_255 = arith.addi %add3A_254, %sub3A_199 : i32
                %mul3A_256 = arith.constant 512 : i32
                %mul3A_257 = arith.muli %add3A_255, %mul3A_256 : i32
                %add3A_258 = arith.addi %mul3A_257, %squeeze3A_184 : i32
                %swap3A_259 = arith.index_cast %add3A_258 : i32 to index
                %swap3A_260 = tpu.vector_load %arg7[%swap3A_259] {strides = array<i32>} : memref<65536xf32, #tpu.memory_space<vmem>>, vector<16xf32>,
                tpu.vector_store %arg7[%swap3A_259], %get3A_253 {add = true, strides = array<i32>} : memref<65536xf32, #tpu.memory_space<vmem>>, vector<16xf32>,
                %add3A_261 = arith.constant 64 : i32
                %add3A_262 = arith.addi %add3A_261, %sub3A_200 : i32
                %mul3A_263 = arith.constant 16 : i32
                %mul3A_264 = arith.muli %add3A_262, %mul3A_263 : i32
                %get3A_265 = arith.index_cast %scan3A_172 : i32 to index
                %get3A_266 = arith.index_cast %mul3A_264 : i32 to index
                %get3A_267 = tpu.vector_load %arg9[%get3A_265, %get3A_266] {strides = array<i32>} : memref<8x2048xf32, #tpu.memory_space<vmem>>, vector<16xf32>,
                %add3A_268 = arith.constant 64 : i32
                %add3A_269 = arith.addi %add3A_268, %sub3A_199 : i32
                %mul3A_270 = arith.constant 512 : i32
                %mul3A_271 = arith.muli %add3A_269, %mul3A_270 : i32
                %add3A_272 = arith.addi %mul3A_271, %squeeze3A_184 : i32
                %swap3A_273 = arith.index_cast %add3A_272 : i32 to index
                %swap3A_274 = tpu.vector_load %arg7[%swap3A_273] {strides = array<i32>} : memref<65536xf32, #tpu.memory_space<vmem>>, vector<16xf32>,
                tpu.vector_store %arg7[%swap3A_273], %get3A_267 {add = true, strides = array<i32>} : memref<65536xf32, #tpu.memory_space<vmem>>, vector<16xf32>,
                %add3A_275 = arith.constant 80 : i32
                %add3A_276 = arith.addi %add3A_275, %sub3A_200 : i32
                %mul3A_277 = arith.constant 16 : i32
                %mul3A_278 = arith.muli %add3A_276, %mul3A_277 : i32
                %get3A_279 = arith.index_cast %scan3A_172 : i32 to index
                %get3A_280 = arith.index_cast %mul3A_278 : i32 to index
                %get3A_281 = tpu.vector_load %arg9[%get3A_279, %get3A_280] {strides = array<i32>} : memref<8x2048xf32, #tpu.memory_space<vmem>>, vector<16xf32>,
                %add3A_282 = arith.constant 80 : i32
                %add3A_283 = arith.addi %add3A_282, %sub3A_199 : i32
                %mul3A_284 = arith.constant 512 : i32
                %mul3A_285 = arith.muli %add3A_283, %mul3A_284 : i32
                %add3A_286 = arith.addi %mul3A_285, %squeeze3A_184 : i32
                %swap3A_287 = arith.index_cast %add3A_286 : i32 to index
                %swap3A_288 = tpu.vector_load %arg7[%swap3A_287] {strides = array<i32>} : memref<65536xf32, #tpu.memory_space<vmem>>, vector<16xf32>,
                tpu.vector_store %arg7[%swap3A_287], %get3A_281 {add = true, strides = array<i32>} : memref<65536xf32, #tpu.memory_space<vmem>>, vector<16xf32>,
                %add3A_289 = arith.constant 96 : i32
                %add3A_290 = arith.addi %add3A_289, %sub3A_200 : i32
                %mul3A_291 = arith.constant 16 : i32
                %mul3A_292 = arith.muli %add3A_290, %mul3A_291 : i32
                %get3A_293 = arith.index_cast %scan3A_172 : i32 to index
                %get3A_294 = arith.index_cast %mul3A_292 : i32 to index
                %get3A_295 = tpu.vector_load %arg9[%get3A_293, %get3A_294] {strides = array<i32>} : memref<8x2048xf32, #tpu.memory_space<vmem>>, vector<16xf32>,
                %add3A_296 = arith.constant 96 : i32
                %add3A_297 = arith.addi %add3A_296, %sub3A_199 : i32
                %mul3A_298 = arith.constant 512 : i32
                %mul3A_299 = arith.muli %add3A_297, %mul3A_298 : i32
                %add3A_300 = arith.addi %mul3A_299, %squeeze3A_184 : i32
                %swap3A_301 = arith.index_cast %add3A_300 : i32 to index
                %swap3A_302 = tpu.vector_load %arg7[%swap3A_301] {strides = array<i32>} : memref<65536xf32, #tpu.memory_space<vmem>>, vector<16xf32>,
                tpu.vector_store %arg7[%swap3A_301], %get3A_295 {add = true, strides = array<i32>} : memref<65536xf32, #tpu.memory_space<vmem>>, vector<16xf32>,
                %add3A_303 = arith.constant 112 : i32
                %add3A_304 = arith.addi %add3A_303, %sub3A_200 : i32
                %mul3A_305 = arith.constant 16 : i32
                %mul3A_306 = arith.muli %add3A_304, %mul3A_305 : i32
                %get3A_307 = arith.index_cast %scan3A_172 : i32 to index
                %get3A_308 = arith.index_cast %mul3A_306 : i32 to index
                %get3A_309 = tpu.vector_load %arg9[%get3A_307, %get3A_308] {strides = array<i32>} : memref<8x2048xf32, #tpu.memory_space<vmem>>, vector<16xf32>,
                %add3A_310 = arith.constant 112 : i32
                %add3A_311 = arith.addi %add3A_310, %sub3A_199 : i32
                %mul3A_312 = arith.constant 512 : i32
                %mul3A_313 = arith.muli %add3A_311, %mul3A_312 : i32
                %add3A_314 = arith.addi %mul3A_313, %squeeze3A_184 : i32
                %swap3A_315 = arith.index_cast %add3A_314 : i32 to index
                %swap3A_316 = tpu.vector_load %arg7[%swap3A_315] {strides = array<i32>} : memref<65536xf32, #tpu.memory_space<vmem>>, vector<16xf32>,
                tpu.vector_store %arg7[%swap3A_315], %get3A_309 {add = true, strides = array<i32>} : memref<65536xf32, #tpu.memory_space<vmem>>, vector<16xf32>,
              }
              %while3A_197 = arith.constant 1 : i32
              scf.for %while3A_198 = %while3A_195 to %while3A_191 step %while3A_197  : i32 {
                %sub3A_199 = arith.subi %while3A_198, %mul3A_52 : i32
                %sub3A_200 = arith.subi %while3A_198, %squeeze3A : i32
                %mul3A_201 = arith.constant 512 : i32
                %mul3A_202 = arith.muli %sub3A_199, %mul3A_201 : i32
                %add3A_203 = arith.addi %mul3A_202, %squeeze3A_184 : i32
                %swap3A = arith.index_cast %add3A_203 : i32 to index
                %swap3A_204 = tpu.vector_load %arg8[%swap3A] {strides = array<i32>} : memref<8192xf32, #tpu.memory_space<vmem>>, vector<16xf32>,
                tpu.vector_store %arg8[%swap3A], %broadcast_in_dim3A_21 {add = true, strides = array<i32>} : memref<8192xf32, #tpu.memory_space<vmem>>, vector<16xf32>,
                %add3A_205 = arith.constant 0 : i32
                %add3A_206 = arith.addi %add3A_205, %sub3A_200 : i32
                %mul3A_207 = arith.constant 16 : i32
                %mul3A_208 = arith.muli %add3A_206, %mul3A_207 : i32
                %get3A_209 = arith.index_cast %scan3A_172 : i32 to index
                %get3A_210 = arith.index_cast %mul3A_208 : i32 to index
                %get3A_211 = tpu.vector_load %arg9[%get3A_209, %get3A_210] {strides = array<i32>} : memref<8x2048xf32, #tpu.memory_space<vmem>>, vector<16xf32>,
                %add3A_212 = arith.constant 0 : i32
                %add3A_213 = arith.addi %add3A_212, %sub3A_199 : i32
                %mul3A_214 = arith.constant 512 : i32
                %mul3A_215 = arith.muli %add3A_213, %mul3A_214 : i32
                %add3A_216 = arith.addi %mul3A_215, %squeeze3A_184 : i32
                %swap3A_217 = arith.index_cast %add3A_216 : i32 to index
                %swap3A_218 = tpu.vector_load %arg7[%swap3A_217] {strides = array<i32>} : memref<65536xf32, #tpu.memory_space<vmem>>, vector<16xf32>,
                tpu.vector_store %arg7[%swap3A_217], %get3A_211 {add = true, strides = array<i32>} : memref<65536xf32, #tpu.memory_space<vmem>>, vector<16xf32>,
                %add3A_219 = arith.constant 16 : i32
                %add3A_220 = arith.addi %add3A_219, %sub3A_200 : i32
                %mul3A_221 = arith.constant 16 : i32
                %mul3A_222 = arith.muli %add3A_220, %mul3A_221 : i32
                %get3A_223 = arith.index_cast %scan3A_172 : i32 to index
                %get3A_224 = arith.index_cast %mul3A_222 : i32 to index
                %get3A_225 = tpu.vector_load %arg9[%get3A_223, %get3A_224] {strides = array<i32>} : memref<8x2048xf32, #tpu.memory_space<vmem>>, vector<16xf32>,
                %add3A_226 = arith.constant 16 : i32
                %add3A_227 = arith.addi %add3A_226, %sub3A_199 : i32
                %mul3A_228 = arith.constant 512 : i32
                %mul3A_229 = arith.muli %add3A_227, %mul3A_228 : i32
                %add3A_230 = arith.addi %mul3A_229, %squeeze3A_184 : i32
                %swap3A_231 = arith.index_cast %add3A_230 : i32 to index
                %swap3A_232 = tpu.vector_load %arg7[%swap3A_231] {strides = array<i32>} : memref<65536xf32, #tpu.memory_space<vmem>>, vector<16xf32>,
                tpu.vector_store %arg7[%swap3A_231], %get3A_225 {add = true, strides = array<i32>} : memref<65536xf32, #tpu.memory_space<vmem>>, vector<16xf32>,
                %add3A_233 = arith.constant 32 : i32
                %add3A_234 = arith.addi %add3A_233, %sub3A_200 : i32
                %mul3A_235 = arith.constant 16 : i32
                %mul3A_236 = arith.muli %add3A_234, %mul3A_235 : i32
                %get3A_237 = arith.index_cast %scan3A_172 : i32 to index
                %get3A_238 = arith.index_cast %mul3A_236 : i32 to index
                %get3A_239 = tpu.vector_load %arg9[%get3A_237, %get3A_238] {strides = array<i32>} : memref<8x2048xf32, #tpu.memory_space<vmem>>, vector<16xf32>,
                %add3A_240 = arith.constant 32 : i32
                %add3A_241 = arith.addi %add3A_240, %sub3A_199 : i32
                %mul3A_242 = arith.constant 512 : i32
                %mul3A_243 = arith.muli %add3A_241, %mul3A_242 : i32
                %add3A_244 = arith.addi %mul3A_243, %squeeze3A_184 : i32
                %swap3A_245 = arith.index_cast %add3A_244 : i32 to index
                %swap3A_246 = tpu.vector_load %arg7[%swap3A_245] {strides = array<i32>} : memref<65536xf32, #tpu.memory_space<vmem>>, vector<16xf32>,
                tpu.vector_store %arg7[%swap3A_245], %get3A_239 {add = true, strides = array<i32>} : memref<65536xf32, #tpu.memory_space<vmem>>, vector<16xf32>,
                %add3A_247 = arith.constant 48 : i32
                %add3A_248 = arith.addi %add3A_247, %sub3A_200 : i32
                %mul3A_249 = arith.constant 16 : i32
                %mul3A_250 = arith.muli %add3A_248, %mul3A_249 : i32
                %get3A_251 = arith.index_cast %scan3A_172 : i32 to index
                %get3A_252 = arith.index_cast %mul3A_250 : i32 to index
                %get3A_253 = tpu.vector_load %arg9[%get3A_251, %get3A_252] {strides = array<i32>} : memref<8x2048xf32, #tpu.memory_space<vmem>>, vector<16xf32>,
                %add3A_254 = arith.constant 48 : i32
                %add3A_255 = arith.addi %add3A_254, %sub3A_199 : i32
                %mul3A_256 = arith.constant 512 : i32
                %mul3A_257 = arith.muli %add3A_255, %mul3A_256 : i32
                %add3A_258 = arith.addi %mul3A_257, %squeeze3A_184 : i32
                %swap3A_259 = arith.index_cast %add3A_258 : i32 to index
                %swap3A_260 = tpu.vector_load %arg7[%swap3A_259] {strides = array<i32>} : memref<65536xf32, #tpu.memory_space<vmem>>, vector<16xf32>,
                tpu.vector_store %arg7[%swap3A_259], %get3A_253 {add = true, strides = array<i32>} : memref<65536xf32, #tpu.memory_space<vmem>>, vector<16xf32>,
                %add3A_261 = arith.constant 64 : i32
                %add3A_262 = arith.addi %add3A_261, %sub3A_200 : i32
                %mul3A_263 = arith.constant 16 : i32
                %mul3A_264 = arith.muli %add3A_262, %mul3A_263 : i32
                %get3A_265 = arith.index_cast %scan3A_172 : i32 to index
                %get3A_266 = arith.index_cast %mul3A_264 : i32 to index
                %get3A_267 = tpu.vector_load %arg9[%get3A_265, %get3A_266] {strides = array<i32>} : memref<8x2048xf32, #tpu.memory_space<vmem>>, vector<16xf32>,
                %add3A_268 = arith.constant 64 : i32
                %add3A_269 = arith.addi %add3A_268, %sub3A_199 : i32
                %mul3A_270 = arith.constant 512 : i32
                %mul3A_271 = arith.muli %add3A_269, %mul3A_270 : i32
                %add3A_272 = arith.addi %mul3A_271, %squeeze3A_184 : i32
                %swap3A_273 = arith.index_cast %add3A_272 : i32 to index
                %swap3A_274 = tpu.vector_load %arg7[%swap3A_273] {strides = array<i32>} : memref<65536xf32, #tpu.memory_space<vmem>>, vector<16xf32>,
                tpu.vector_store %arg7[%swap3A_273], %get3A_267 {add = true, strides = array<i32>} : memref<65536xf32, #tpu.memory_space<vmem>>, vector<16xf32>,
                %add3A_275 = arith.constant 80 : i32
                %add3A_276 = arith.addi %add3A_275, %sub3A_200 : i32
                %mul3A_277 = arith.constant 16 : i32
                %mul3A_278 = arith.muli %add3A_276, %mul3A_277 : i32
                %get3A_279 = arith.index_cast %scan3A_172 : i32 to index
                %get3A_280 = arith.index_cast %mul3A_278 : i32 to index
                %get3A_281 = tpu.vector_load %arg9[%get3A_279, %get3A_280] {strides = array<i32>} : memref<8x2048xf32, #tpu.memory_space<vmem>>, vector<16xf32>,
                %add3A_282 = arith.constant 80 : i32
                %add3A_283 = arith.addi %add3A_282, %sub3A_199 : i32
                %mul3A_284 = arith.constant 512 : i32
                %mul3A_285 = arith.muli %add3A_283, %mul3A_284 : i32
                %add3A_286 = arith.addi %mul3A_285, %squeeze3A_184 : i32
                %swap3A_287 = arith.index_cast %add3A_286 : i32 to index
                %swap3A_288 = tpu.vector_load %arg7[%swap3A_287] {strides = array<i32>} : memref<65536xf32, #tpu.memory_space<vmem>>, vector<16xf32>,
                tpu.vector_store %arg7[%swap3A_287], %get3A_281 {add = true, strides = array<i32>} : memref<65536xf32, #tpu.memory_space<vmem>>, vector<16xf32>,
                %add3A_289 = arith.constant 96 : i32
                %add3A_290 = arith.addi %add3A_289, %sub3A_200 : i32
                %mul3A_291 = arith.constant 16 : i32
                %mul3A_292 = arith.muli %add3A_290, %mul3A_291 : i32
                %get3A_293 = arith.index_cast %scan3A_172 : i32 to index
                %get3A_294 = arith.index_cast %mul3A_292 : i32 to index
                %get3A_295 = tpu.vector_load %arg9[%get3A_293, %get3A_294] {strides = array<i32>} : memref<8x2048xf32, #tpu.memory_space<vmem>>, vector<16xf32>,
                %add3A_296 = arith.constant 96 : i32
                %add3A_297 = arith.addi %add3A_296, %sub3A_199 : i32
                %mul3A_298 = arith.constant 512 : i32
                %mul3A_299 = arith.muli %add3A_297, %mul3A_298 : i32
                %add3A_300 = arith.addi %mul3A_299, %squeeze3A_184 : i32
                %swap3A_301 = arith.index_cast %add3A_300 : i32 to index
                %swap3A_302 = tpu.vector_load %arg7[%swap3A_301] {strides = array<i32>} : memref<65536xf32, #tpu.memory_space<vmem>>, vector<16xf32>,
                tpu.vector_store %arg7[%swap3A_301], %get3A_295 {add = true, strides = array<i32>} : memref<65536xf32, #tpu.memory_space<vmem>>, vector<16xf32>,
                %add3A_303 = arith.constant 112 : i32
                %add3A_304 = arith.addi %add3A_303, %sub3A_200 : i32
                %mul3A_305 = arith.constant 16 : i32
                %mul3A_306 = arith.muli %add3A_304, %mul3A_305 : i32
                %get3A_307 = arith.index_cast %scan3A_172 : i32 to index
                %get3A_308 = arith.index_cast %mul3A_306 : i32 to index
                %get3A_309 = tpu.vector_load %arg9[%get3A_307, %get3A_308] {strides = array<i32>} : memref<8x2048xf32, #tpu.memory_space<vmem>>, vector<16xf32>,
                %add3A_310 = arith.constant 112 : i32
                %add3A_311 = arith.addi %add3A_310, %sub3A_199 : i32
                %mul3A_312 = arith.constant 512 : i32
                %mul3A_313 = arith.muli %add3A_311, %mul3A_312 : i32
                %add3A_314 = arith.addi %mul3A_313, %squeeze3A_184 : i32
                %swap3A_315 = arith.index_cast %add3A_314 : i32 to index
                %swap3A_316 = tpu.vector_load %arg7[%swap3A_315] {strides = array<i32>} : memref<65536xf32, #tpu.memory_space<vmem>>, vector<16xf32>,
                tpu.vector_store %arg7[%swap3A_315], %get3A_309 {add = true, strides = array<i32>} : memref<65536xf32, #tpu.memory_space<vmem>>, vector<16xf32>,
              }
            } else {
            }
          }
          %scan3A_167 = arith.constant 8 : i32
          %lt3A_168 = arith.cmpi slt, %add3A_152, %select_n3A_102 : i32
          %convert_element_type3A_169 = arith.extui %lt3A_168 : i1 to i32
          %cond3A_170 = arith.constant 0 : i32
          %cond3A_171 = arith.cmpi ne, %convert_element_type3A_169, %cond3A_170 : i32
          scf.if %cond3A_171 {
            %add3A_172 = arith.constant 1 : i32
            %add3A_173 = arith.addi %add3A_152, %add3A_172 : i32
            %lt3A_174 = arith.cmpi slt, %add3A_173, %select_n3A_102 : i32
            %convert_element_type3A_175 = arith.extui %lt3A_174 : i1 to i32
            %cond3A_176 = arith.constant 0 : i32
            %cond3A_177 = arith.cmpi ne, %convert_element_type3A_175, %cond3A_176 : i32
            scf.if %cond3A_177 {
              %add3A_190 = arith.constant 1 : i32
              %add3A_191 = arith.addi %add3A_152, %add3A_190 : i32
              %mul3A_192 = arith.constant 8 : i32
              %mul3A_193 = arith.muli %add3A_191, %mul3A_192 : i32
              %dma_start3A_194 = tpu.memref_slice %arg13[%mul3A_193] : memref<1040xi32, #tpu.memory_space<vmem>> -> memref<8xi32, #tpu.memory_space<vmem>>
              %dma_start3A_195 = arith.constant 0 : i32
              %dma_start3A_196 = arith.constant 0 : i32
              %dma_start3A_197 = tpu.memref_slice %arg2[%dma_start3A_195, %dma_start3A_196] : memref<8192x2048xf32, #tpu.memory_space<hbm>> -> memref<8192x2048xf32, #tpu.memory_space<hbm>>
              tpu.enqueue_indirect_dma source(%dma_start3A_197 : memref<8192x2048xf32, #tpu.memory_space<hbm>>) target(%arg9 : memref<8x2048xf32, #tpu.memory_space<vmem>>) offsets(%dma_start3A_194 : memref<8xi32, #tpu.memory_space<vmem>>) semaphore(%arg16 : memref<!tpu.dma_semaphore, #tpu.memory_space<semaphore_mem>>)
            } else {
            }
            %mul3A_178 = arith.constant 8 : i32
            %mul3A_179 = arith.muli %add3A_152, %mul3A_178 : i32
            %dma_wait3A_180 = tpu.memref_slice %arg13[%mul3A_179] : memref<1040xi32, #tpu.memory_space<vmem>> -> memref<8xi32, #tpu.memory_space<vmem>>
            %dma_wait3A_181 = arith.constant 0 : i32
            %dma_wait3A_182 = arith.constant 0 : i32
            %dma_wait3A_183 = tpu.memref_slice %arg2[%dma_wait3A_181, %dma_wait3A_182] : memref<8192x2048xf32, #tpu.memory_space<hbm>> -> memref<8192x2048xf32, #tpu.memory_space<hbm>>
            tpu.wait_indirect_dma semaphore(%arg17 : memref<!tpu.dma_semaphore, #tpu.memory_space<semaphore_mem>>) src(%dma_wait3A_183 : memref<8192x2048xf32, #tpu.memory_space<hbm>>) dst(%arg10 : memref<8x2048xf32, #tpu.memory_space<vmem>>)
            %scan3A_184 = arith.constant 0 : i32
            %scan3A_185 = arith.constant 0 : i32
            %scan3A_186 = arith.constant 8 : i32
            %scan3A_187 = arith.addi %scan3A_185, %scan3A_186 : i32
            %scan3A_188 = arith.constant 1 : i32
            scf.for %scan3A_190 = %scan3A_185 to %scan3A_187 step %scan3A_188  : i32 {
              %mul3A_191 = arith.constant 8 : i32
              %mul3A_192 = arith.muli %add3A_152, %mul3A_191 : i32
              %add3A_193 = arith.addi %mul3A_192, %scan3A_190 : i32
              %lt3A_194 = arith.cmpi slt, %add3A_193, %scan3A_73 : i32
              %convert_element_type3A_195 = arith.extui %lt3A_194 : i1 to i32
              %cond3A_196 = arith.constant 0 : i32
              %cond3A_197 = arith.cmpi ne, %convert_element_type3A_195, %cond3A_196 : i32
              scf.if %cond3A_197 {
                %get3A = arith.index_cast %add3A_193 : i32 to index
                %get3A_198 = tpu.vector_load %arg14[%get3A] {strides = array<i32>} : memref<1040xi32, #tpu.memory_space<vmem>>, vector<16xi32>,
                %slice3A = vector.extract_strided_slice %get3A_198 {offsets = [0], sizes = [1], strides = [1]} : vector<16xi32> to vector<1xi32>
                %squeeze3A = vector.extract %slice3A[0] : i32 from vector<1xi32>
                %get3A_199 = arith.index_cast %add3A_193 : i32 to index
                %get3A_200 = tpu.vector_load %arg15[%get3A_199] {strides = array<i32>} : memref<1040xi32, #tpu.memory_space<vmem>>, vector<16xi32>,
                %slice3A_201 = vector.extract_strided_slice %get3A_200 {offsets = [0], sizes = [1], strides = [1]} : vector<16xi32> to vector<1xi32>
                %squeeze3A_202 = vector.extract %slice3A_201[0] : i32 from vector<1xi32>
                %max3A = arith.maxsi %squeeze3A, %mul3A_52 : i32
                %add3A_203 = arith.constant 16 : i32
                %add3A_204 = arith.addi %squeeze3A, %add3A_203 : i32
                %add3A_205 = arith.constant 16 : i32
                %add3A_206 = arith.addi %mul3A_52, %add3A_205 : i32
                %min3A = arith.minsi %add3A_204, %add3A_206 : i32
                %while3A_207 = arith.constant 0 : i32
                %while3A_208 = arith.subi %min3A, %max3A : i32
                %while3A_209 = arith.addi %max3A, %while3A_208 : i32
                %while3A_210 = arith.constant 1 : i32
                %while3A_211 = arith.divsi %while3A_208, %while3A_210 : i32
                %while3A_212 = arith.muli %while3A_211, %while3A_210 : i32
                %while3A_213 = arith.addi %max3A, %while3A_212 : i32
                %while3A_214 = arith.constant 1 : i32
                scf.for %while3A_216 = %max3A to %while3A_213 step %while3A_214  : i32 {
                  %sub3A_217 = arith.subi %while3A_216, %mul3A_52 : i32
                  %sub3A_218 = arith.subi %while3A_216, %squeeze3A : i32
                  %mul3A_219 = arith.constant 512 : i32
                  %mul3A_220 = arith.muli %sub3A_217, %mul3A_219 : i32
                  %add3A_221 = arith.addi %mul3A_220, %squeeze3A_202 : i32
                  %swap3A = arith.index_cast %add3A_221 : i32 to index
                  %swap3A_222 = tpu.vector_load %arg8[%swap3A] {strides = array<i32>} : memref<8192xf32, #tpu.memory_space<vmem>>, vector<16xf32>,
                  tpu.vector_store %arg8[%swap3A], %broadcast_in_dim3A_21 {add = true, strides = array<i32>} : memref<8192xf32, #tpu.memory_space<vmem>>, vector<16xf32>,
                  %add3A_223 = arith.constant 0 : i32
                  %add3A_224 = arith.addi %add3A_223, %sub3A_218 : i32
                  %mul3A_225 = arith.constant 16 : i32
                  %mul3A_226 = arith.muli %add3A_224, %mul3A_225 : i32
                  %get3A_227 = arith.index_cast %scan3A_190 : i32 to index
                  %get3A_228 = arith.index_cast %mul3A_226 : i32 to index
                  %get3A_229 = tpu.vector_load %arg10[%get3A_227, %get3A_228] {strides = array<i32>} : memref<8x2048xf32, #tpu.memory_space<vmem>>, vector<16xf32>,
                  %add3A_230 = arith.constant 0 : i32
                  %add3A_231 = arith.addi %add3A_230, %sub3A_217 : i32
                  %mul3A_232 = arith.constant 512 : i32
                  %mul3A_233 = arith.muli %add3A_231, %mul3A_232 : i32
                  %add3A_234 = arith.addi %mul3A_233, %squeeze3A_202 : i32
                  %swap3A_235 = arith.index_cast %add3A_234 : i32 to index
                  %swap3A_236 = tpu.vector_load %arg7[%swap3A_235] {strides = array<i32>} : memref<65536xf32, #tpu.memory_space<vmem>>, vector<16xf32>,
                  tpu.vector_store %arg7[%swap3A_235], %get3A_229 {add = true, strides = array<i32>} : memref<65536xf32, #tpu.memory_space<vmem>>, vector<16xf32>,
                  %add3A_237 = arith.constant 16 : i32
                  %add3A_238 = arith.addi %add3A_237, %sub3A_218 : i32
                  %mul3A_239 = arith.constant 16 : i32
                  %mul3A_240 = arith.muli %add3A_238, %mul3A_239 : i32
                  %get3A_241 = arith.index_cast %scan3A_190 : i32 to index
                  %get3A_242 = arith.index_cast %mul3A_240 : i32 to index
                  %get3A_243 = tpu.vector_load %arg10[%get3A_241, %get3A_242] {strides = array<i32>} : memref<8x2048xf32, #tpu.memory_space<vmem>>, vector<16xf32>,
                  %add3A_244 = arith.constant 16 : i32
                  %add3A_245 = arith.addi %add3A_244, %sub3A_217 : i32
                  %mul3A_246 = arith.constant 512 : i32
                  %mul3A_247 = arith.muli %add3A_245, %mul3A_246 : i32
                  %add3A_248 = arith.addi %mul3A_247, %squeeze3A_202 : i32
                  %swap3A_249 = arith.index_cast %add3A_248 : i32 to index
                  %swap3A_250 = tpu.vector_load %arg7[%swap3A_249] {strides = array<i32>} : memref<65536xf32, #tpu.memory_space<vmem>>, vector<16xf32>,
                  tpu.vector_store %arg7[%swap3A_249], %get3A_243 {add = true, strides = array<i32>} : memref<65536xf32, #tpu.memory_space<vmem>>, vector<16xf32>,
                  %add3A_251 = arith.constant 32 : i32
                  %add3A_252 = arith.addi %add3A_251, %sub3A_218 : i32
                  %mul3A_253 = arith.constant 16 : i32
                  %mul3A_254 = arith.muli %add3A_252, %mul3A_253 : i32
                  %get3A_255 = arith.index_cast %scan3A_190 : i32 to index
                  %get3A_256 = arith.index_cast %mul3A_254 : i32 to index
                  %get3A_257 = tpu.vector_load %arg10[%get3A_255, %get3A_256] {strides = array<i32>} : memref<8x2048xf32, #tpu.memory_space<vmem>>, vector<16xf32>,
                  %add3A_258 = arith.constant 32 : i32
                  %add3A_259 = arith.addi %add3A_258, %sub3A_217 : i32
                  %mul3A_260 = arith.constant 512 : i32
                  %mul3A_261 = arith.muli %add3A_259, %mul3A_260 : i32
                  %add3A_262 = arith.addi %mul3A_261, %squeeze3A_202 : i32
                  %swap3A_263 = arith.index_cast %add3A_262 : i32 to index
                  %swap3A_264 = tpu.vector_load %arg7[%swap3A_263] {strides = array<i32>} : memref<65536xf32, #tpu.memory_space<vmem>>, vector<16xf32>,
                  tpu.vector_store %arg7[%swap3A_263], %get3A_257 {add = true, strides = array<i32>} : memref<65536xf32, #tpu.memory_space<vmem>>, vector<16xf32>,
                  %add3A_265 = arith.constant 48 : i32
                  %add3A_266 = arith.addi %add3A_265, %sub3A_218 : i32
                  %mul3A_267 = arith.constant 16 : i32
                  %mul3A_268 = arith.muli %add3A_266, %mul3A_267 : i32
                  %get3A_269 = arith.index_cast %scan3A_190 : i32 to index
                  %get3A_270 = arith.index_cast %mul3A_268 : i32 to index
                  %get3A_271 = tpu.vector_load %arg10[%get3A_269, %get3A_270] {strides = array<i32>} : memref<8x2048xf32, #tpu.memory_space<vmem>>, vector<16xf32>,
                  %add3A_272 = arith.constant 48 : i32
                  %add3A_273 = arith.addi %add3A_272, %sub3A_217 : i32
                  %mul3A_274 = arith.constant 512 : i32
                  %mul3A_275 = arith.muli %add3A_273, %mul3A_274 : i32
                  %add3A_276 = arith.addi %mul3A_275, %squeeze3A_202 : i32
                  %swap3A_277 = arith.index_cast %add3A_276 : i32 to index
                  %swap3A_278 = tpu.vector_load %arg7[%swap3A_277] {strides = array<i32>} : memref<65536xf32, #tpu.memory_space<vmem>>, vector<16xf32>,
                  tpu.vector_store %arg7[%swap3A_277], %get3A_271 {add = true, strides = array<i32>} : memref<65536xf32, #tpu.memory_space<vmem>>, vector<16xf32>,
                  %add3A_279 = arith.constant 64 : i32
                  %add3A_280 = arith.addi %add3A_279, %sub3A_218 : i32
                  %mul3A_281 = arith.constant 16 : i32
                  %mul3A_282 = arith.muli %add3A_280, %mul3A_281 : i32
                  %get3A_283 = arith.index_cast %scan3A_190 : i32 to index
                  %get3A_284 = arith.index_cast %mul3A_282 : i32 to index
                  %get3A_285 = tpu.vector_load %arg10[%get3A_283, %get3A_284] {strides = array<i32>} : memref<8x2048xf32, #tpu.memory_space<vmem>>, vector<16xf32>,
                  %add3A_286 = arith.constant 64 : i32
                  %add3A_287 = arith.addi %add3A_286, %sub3A_217 : i32
                  %mul3A_288 = arith.constant 512 : i32
                  %mul3A_289 = arith.muli %add3A_287, %mul3A_288 : i32
                  %add3A_290 = arith.addi %mul3A_289, %squeeze3A_202 : i32
                  %swap3A_291 = arith.index_cast %add3A_290 : i32 to index
                  %swap3A_292 = tpu.vector_load %arg7[%swap3A_291] {strides = array<i32>} : memref<65536xf32, #tpu.memory_space<vmem>>, vector<16xf32>,
                  tpu.vector_store %arg7[%swap3A_291], %get3A_285 {add = true, strides = array<i32>} : memref<65536xf32, #tpu.memory_space<vmem>>, vector<16xf32>,
                  %add3A_293 = arith.constant 80 : i32
                  %add3A_294 = arith.addi %add3A_293, %sub3A_218 : i32
                  %mul3A_295 = arith.constant 16 : i32
                  %mul3A_296 = arith.muli %add3A_294, %mul3A_295 : i32
                  %get3A_297 = arith.index_cast %scan3A_190 : i32 to index
                  %get3A_298 = arith.index_cast %mul3A_296 : i32 to index
                  %get3A_299 = tpu.vector_load %arg10[%get3A_297, %get3A_298] {strides = array<i32>} : memref<8x2048xf32, #tpu.memory_space<vmem>>, vector<16xf32>,
                  %add3A_300 = arith.constant 80 : i32
                  %add3A_301 = arith.addi %add3A_300, %sub3A_217 : i32
                  %mul3A_302 = arith.constant 512 : i32
                  %mul3A_303 = arith.muli %add3A_301, %mul3A_302 : i32
                  %add3A_304 = arith.addi %mul3A_303, %squeeze3A_202 : i32
                  %swap3A_305 = arith.index_cast %add3A_304 : i32 to index
                  %swap3A_306 = tpu.vector_load %arg7[%swap3A_305] {strides = array<i32>} : memref<65536xf32, #tpu.memory_space<vmem>>, vector<16xf32>,
                  tpu.vector_store %arg7[%swap3A_305], %get3A_299 {add = true, strides = array<i32>} : memref<65536xf32, #tpu.memory_space<vmem>>, vector<16xf32>,
                  %add3A_307 = arith.constant 96 : i32
                  %add3A_308 = arith.addi %add3A_307, %sub3A_218 : i32
                  %mul3A_309 = arith.constant 16 : i32
                  %mul3A_310 = arith.muli %add3A_308, %mul3A_309 : i32
                  %get3A_311 = arith.index_cast %scan3A_190 : i32 to index
                  %get3A_312 = arith.index_cast %mul3A_310 : i32 to index
                  %get3A_313 = tpu.vector_load %arg10[%get3A_311, %get3A_312] {strides = array<i32>} : memref<8x2048xf32, #tpu.memory_space<vmem>>, vector<16xf32>,
                  %add3A_314 = arith.constant 96 : i32
                  %add3A_315 = arith.addi %add3A_314, %sub3A_217 : i32
                  %mul3A_316 = arith.constant 512 : i32
                  %mul3A_317 = arith.muli %add3A_315, %mul3A_316 : i32
                  %add3A_318 = arith.addi %mul3A_317, %squeeze3A_202 : i32
                  %swap3A_319 = arith.index_cast %add3A_318 : i32 to index
                  %swap3A_320 = tpu.vector_load %arg7[%swap3A_319] {strides = array<i32>} : memref<65536xf32, #tpu.memory_space<vmem>>, vector<16xf32>,
                  tpu.vector_store %arg7[%swap3A_319], %get3A_313 {add = true, strides = array<i32>} : memref<65536xf32, #tpu.memory_space<vmem>>, vector<16xf32>,
                  %add3A_321 = arith.constant 112 : i32
                  %add3A_322 = arith.addi %add3A_321, %sub3A_218 : i32
                  %mul3A_323 = arith.constant 16 : i32
                  %mul3A_324 = arith.muli %add3A_322, %mul3A_323 : i32
                  %get3A_325 = arith.index_cast %scan3A_190 : i32 to index
                  %get3A_326 = arith.index_cast %mul3A_324 : i32 to index
                  %get3A_327 = tpu.vector_load %arg10[%get3A_325, %get3A_326] {strides = array<i32>} : memref<8x2048xf32, #tpu.memory_space<vmem>>, vector<16xf32>,
                  %add3A_328 = arith.constant 112 : i32
                  %add3A_329 = arith.addi %add3A_328, %sub3A_217 : i32
                  %mul3A_330 = arith.constant 512 : i32
                  %mul3A_331 = arith.muli %add3A_329, %mul3A_330 : i32
                  %add3A_332 = arith.addi %mul3A_331, %squeeze3A_202 : i32
                  %swap3A_333 = arith.index_cast %add3A_332 : i32 to index
                  %swap3A_334 = tpu.vector_load %arg7[%swap3A_333] {strides = array<i32>} : memref<65536xf32, #tpu.memory_space<vmem>>, vector<16xf32>,
                  tpu.vector_store %arg7[%swap3A_333], %get3A_327 {add = true, strides = array<i32>} : memref<65536xf32, #tpu.memory_space<vmem>>, vector<16xf32>,
                }
                %while3A_215 = arith.constant 1 : i32
                scf.for %while3A_216 = %while3A_213 to %while3A_209 step %while3A_215  : i32 {
                  %sub3A_217 = arith.subi %while3A_216, %mul3A_52 : i32
                  %sub3A_218 = arith.subi %while3A_216, %squeeze3A : i32
                  %mul3A_219 = arith.constant 512 : i32
                  %mul3A_220 = arith.muli %sub3A_217, %mul3A_219 : i32
                  %add3A_221 = arith.addi %mul3A_220, %squeeze3A_202 : i32
                  %swap3A = arith.index_cast %add3A_221 : i32 to index
                  %swap3A_222 = tpu.vector_load %arg8[%swap3A] {strides = array<i32>} : memref<8192xf32, #tpu.memory_space<vmem>>, vector<16xf32>,
                  tpu.vector_store %arg8[%swap3A], %broadcast_in_dim3A_21 {add = true, strides = array<i32>} : memref<8192xf32, #tpu.memory_space<vmem>>, vector<16xf32>,
                  %add3A_223 = arith.constant 0 : i32
                  %add3A_224 = arith.addi %add3A_223, %sub3A_218 : i32
                  %mul3A_225 = arith.constant 16 : i32
                  %mul3A_226 = arith.muli %add3A_224, %mul3A_225 : i32
                  %get3A_227 = arith.index_cast %scan3A_190 : i32 to index
                  %get3A_228 = arith.index_cast %mul3A_226 : i32 to index
                  %get3A_229 = tpu.vector_load %arg10[%get3A_227, %get3A_228] {strides = array<i32>} : memref<8x2048xf32, #tpu.memory_space<vmem>>, vector<16xf32>,
                  %add3A_230 = arith.constant 0 : i32
                  %add3A_231 = arith.addi %add3A_230, %sub3A_217 : i32
                  %mul3A_232 = arith.constant 512 : i32
                  %mul3A_233 = arith.muli %add3A_231, %mul3A_232 : i32
                  %add3A_234 = arith.addi %mul3A_233, %squeeze3A_202 : i32
                  %swap3A_235 = arith.index_cast %add3A_234 : i32 to index
                  %swap3A_236 = tpu.vector_load %arg7[%swap3A_235] {strides = array<i32>} : memref<65536xf32, #tpu.memory_space<vmem>>, vector<16xf32>,
                  tpu.vector_store %arg7[%swap3A_235], %get3A_229 {add = true, strides = array<i32>} : memref<65536xf32, #tpu.memory_space<vmem>>, vector<16xf32>,
                  %add3A_237 = arith.constant 16 : i32
                  %add3A_238 = arith.addi %add3A_237, %sub3A_218 : i32
                  %mul3A_239 = arith.constant 16 : i32
                  %mul3A_240 = arith.muli %add3A_238, %mul3A_239 : i32
                  %get3A_241 = arith.index_cast %scan3A_190 : i32 to index
                  %get3A_242 = arith.index_cast %mul3A_240 : i32 to index
                  %get3A_243 = tpu.vector_load %arg10[%get3A_241, %get3A_242] {strides = array<i32>} : memref<8x2048xf32, #tpu.memory_space<vmem>>, vector<16xf32>,
                  %add3A_244 = arith.constant 16 : i32
                  %add3A_245 = arith.addi %add3A_244, %sub3A_217 : i32
                  %mul3A_246 = arith.constant 512 : i32
                  %mul3A_247 = arith.muli %add3A_245, %mul3A_246 : i32
                  %add3A_248 = arith.addi %mul3A_247, %squeeze3A_202 : i32
                  %swap3A_249 = arith.index_cast %add3A_248 : i32 to index
                  %swap3A_250 = tpu.vector_load %arg7[%swap3A_249] {strides = array<i32>} : memref<65536xf32, #tpu.memory_space<vmem>>, vector<16xf32>,
                  tpu.vector_store %arg7[%swap3A_249], %get3A_243 {add = true, strides = array<i32>} : memref<65536xf32, #tpu.memory_space<vmem>>, vector<16xf32>,
                  %add3A_251 = arith.constant 32 : i32
                  %add3A_252 = arith.addi %add3A_251, %sub3A_218 : i32
                  %mul3A_253 = arith.constant 16 : i32
                  %mul3A_254 = arith.muli %add3A_252, %mul3A_253 : i32
                  %get3A_255 = arith.index_cast %scan3A_190 : i32 to index
                  %get3A_256 = arith.index_cast %mul3A_254 : i32 to index
                  %get3A_257 = tpu.vector_load %arg10[%get3A_255, %get3A_256] {strides = array<i32>} : memref<8x2048xf32, #tpu.memory_space<vmem>>, vector<16xf32>,
                  %add3A_258 = arith.constant 32 : i32
                  %add3A_259 = arith.addi %add3A_258, %sub3A_217 : i32
                  %mul3A_260 = arith.constant 512 : i32
                  %mul3A_261 = arith.muli %add3A_259, %mul3A_260 : i32
                  %add3A_262 = arith.addi %mul3A_261, %squeeze3A_202 : i32
                  %swap3A_263 = arith.index_cast %add3A_262 : i32 to index
                  %swap3A_264 = tpu.vector_load %arg7[%swap3A_263] {strides = array<i32>} : memref<65536xf32, #tpu.memory_space<vmem>>, vector<16xf32>,
                  tpu.vector_store %arg7[%swap3A_263], %get3A_257 {add = true, strides = array<i32>} : memref<65536xf32, #tpu.memory_space<vmem>>, vector<16xf32>,
                  %add3A_265 = arith.constant 48 : i32
                  %add3A_266 = arith.addi %add3A_265, %sub3A_218 : i32
                  %mul3A_267 = arith.constant 16 : i32
                  %mul3A_268 = arith.muli %add3A_266, %mul3A_267 : i32
                  %get3A_269 = arith.index_cast %scan3A_190 : i32 to index
                  %get3A_270 = arith.index_cast %mul3A_268 : i32 to index
                  %get3A_271 = tpu.vector_load %arg10[%get3A_269, %get3A_270] {strides = array<i32>} : memref<8x2048xf32, #tpu.memory_space<vmem>>, vector<16xf32>,
                  %add3A_272 = arith.constant 48 : i32
                  %add3A_273 = arith.addi %add3A_272, %sub3A_217 : i32
                  %mul3A_274 = arith.constant 512 : i32
                  %mul3A_275 = arith.muli %add3A_273, %mul3A_274 : i32
                  %add3A_276 = arith.addi %mul3A_275, %squeeze3A_202 : i32
                  %swap3A_277 = arith.index_cast %add3A_276 : i32 to index
                  %swap3A_278 = tpu.vector_load %arg7[%swap3A_277] {strides = array<i32>} : memref<65536xf32, #tpu.memory_space<vmem>>, vector<16xf32>,
                  tpu.vector_store %arg7[%swap3A_277], %get3A_271 {add = true, strides = array<i32>} : memref<65536xf32, #tpu.memory_space<vmem>>, vector<16xf32>,
                  %add3A_279 = arith.constant 64 : i32
                  %add3A_280 = arith.addi %add3A_279, %sub3A_218 : i32
                  %mul3A_281 = arith.constant 16 : i32
                  %mul3A_282 = arith.muli %add3A_280, %mul3A_281 : i32
                  %get3A_283 = arith.index_cast %scan3A_190 : i32 to index
                  %get3A_284 = arith.index_cast %mul3A_282 : i32 to index
                  %get3A_285 = tpu.vector_load %arg10[%get3A_283, %get3A_284] {strides = array<i32>} : memref<8x2048xf32, #tpu.memory_space<vmem>>, vector<16xf32>,
                  %add3A_286 = arith.constant 64 : i32
                  %add3A_287 = arith.addi %add3A_286, %sub3A_217 : i32
                  %mul3A_288 = arith.constant 512 : i32
                  %mul3A_289 = arith.muli %add3A_287, %mul3A_288 : i32
                  %add3A_290 = arith.addi %mul3A_289, %squeeze3A_202 : i32
                  %swap3A_291 = arith.index_cast %add3A_290 : i32 to index
                  %swap3A_292 = tpu.vector_load %arg7[%swap3A_291] {strides = array<i32>} : memref<65536xf32, #tpu.memory_space<vmem>>, vector<16xf32>,
                  tpu.vector_store %arg7[%swap3A_291], %get3A_285 {add = true, strides = array<i32>} : memref<65536xf32, #tpu.memory_space<vmem>>, vector<16xf32>,
                  %add3A_293 = arith.constant 80 : i32
                  %add3A_294 = arith.addi %add3A_293, %sub3A_218 : i32
                  %mul3A_295 = arith.constant 16 : i32
                  %mul3A_296 = arith.muli %add3A_294, %mul3A_295 : i32
                  %get3A_297 = arith.index_cast %scan3A_190 : i32 to index
                  %get3A_298 = arith.index_cast %mul3A_296 : i32 to index
                  %get3A_299 = tpu.vector_load %arg10[%get3A_297, %get3A_298] {strides = array<i32>} : memref<8x2048xf32, #tpu.memory_space<vmem>>, vector<16xf32>,
                  %add3A_300 = arith.constant 80 : i32
                  %add3A_301 = arith.addi %add3A_300, %sub3A_217 : i32
                  %mul3A_302 = arith.constant 512 : i32
                  %mul3A_303 = arith.muli %add3A_301, %mul3A_302 : i32
                  %add3A_304 = arith.addi %mul3A_303, %squeeze3A_202 : i32
                  %swap3A_305 = arith.index_cast %add3A_304 : i32 to index
                  %swap3A_306 = tpu.vector_load %arg7[%swap3A_305] {strides = array<i32>} : memref<65536xf32, #tpu.memory_space<vmem>>, vector<16xf32>,
                  tpu.vector_store %arg7[%swap3A_305], %get3A_299 {add = true, strides = array<i32>} : memref<65536xf32, #tpu.memory_space<vmem>>, vector<16xf32>,
                  %add3A_307 = arith.constant 96 : i32
                  %add3A_308 = arith.addi %add3A_307, %sub3A_218 : i32
                  %mul3A_309 = arith.constant 16 : i32
                  %mul3A_310 = arith.muli %add3A_308, %mul3A_309 : i32
                  %get3A_311 = arith.index_cast %scan3A_190 : i32 to index
                  %get3A_312 = arith.index_cast %mul3A_310 : i32 to index
                  %get3A_313 = tpu.vector_load %arg10[%get3A_311, %get3A_312] {strides = array<i32>} : memref<8x2048xf32, #tpu.memory_space<vmem>>, vector<16xf32>,
                  %add3A_314 = arith.constant 96 : i32
                  %add3A_315 = arith.addi %add3A_314, %sub3A_217 : i32
                  %mul3A_316 = arith.constant 512 : i32
                  %mul3A_317 = arith.muli %add3A_315, %mul3A_316 : i32
                  %add3A_318 = arith.addi %mul3A_317, %squeeze3A_202 : i32
                  %swap3A_319 = arith.index_cast %add3A_318 : i32 to index
                  %swap3A_320 = tpu.vector_load %arg7[%swap3A_319] {strides = array<i32>} : memref<65536xf32, #tpu.memory_space<vmem>>, vector<16xf32>,
                  tpu.vector_store %arg7[%swap3A_319], %get3A_313 {add = true, strides = array<i32>} : memref<65536xf32, #tpu.memory_space<vmem>>, vector<16xf32>,
                  %add3A_321 = arith.constant 112 : i32
                  %add3A_322 = arith.addi %add3A_321, %sub3A_218 : i32
                  %mul3A_323 = arith.constant 16 : i32
                  %mul3A_324 = arith.muli %add3A_322, %mul3A_323 : i32
                  %get3A_325 = arith.index_cast %scan3A_190 : i32 to index
                  %get3A_326 = arith.index_cast %mul3A_324 : i32 to index
                  %get3A_327 = tpu.vector_load %arg10[%get3A_325, %get3A_326] {strides = array<i32>} : memref<8x2048xf32, #tpu.memory_space<vmem>>, vector<16xf32>,
                  %add3A_328 = arith.constant 112 : i32
                  %add3A_329 = arith.addi %add3A_328, %sub3A_217 : i32
                  %mul3A_330 = arith.constant 512 : i32
                  %mul3A_331 = arith.muli %add3A_329, %mul3A_330 : i32
                  %add3A_332 = arith.addi %mul3A_331, %squeeze3A_202 : i32
                  %swap3A_333 = arith.index_cast %add3A_332 : i32 to index
                  %swap3A_334 = tpu.vector_load %arg7[%swap3A_333] {strides = array<i32>} : memref<65536xf32, #tpu.memory_space<vmem>>, vector<16xf32>,
                  tpu.vector_store %arg7[%swap3A_333], %get3A_327 {add = true, strides = array<i32>} : memref<65536xf32, #tpu.memory_space<vmem>>, vector<16xf32>,
                }
              } else {
              }
            }
            %scan3A_189 = arith.constant 8 : i32
          } else {
          }
        }
        %while3A_147 = arith.constant 1 : i32
        scf.for %while3A_148 = %while3A_145 to %while3A_141 step %while3A_147  : i32 {
          %mul3A_149 = arith.constant 2 : i32
          %mul3A_150 = arith.muli %mul3A_149, %while3A_148 : i32
          %add3A_151 = arith.constant 1 : i32
          %add3A_152 = arith.addi %mul3A_150, %add3A_151 : i32
          %lt3A_153 = arith.cmpi slt, %add3A_152, %select_n3A_102 : i32
          %convert_element_type3A_154 = arith.extui %lt3A_153 : i1 to i32
          %cond3A_155 = arith.constant 0 : i32
          %cond3A_156 = arith.cmpi ne, %convert_element_type3A_154, %cond3A_155 : i32
          scf.if %cond3A_156 {
            %mul3A_172 = arith.constant 8 : i32
            %mul3A_173 = arith.muli %add3A_152, %mul3A_172 : i32
            %dma_start3A_174 = tpu.memref_slice %arg13[%mul3A_173] : memref<1040xi32, #tpu.memory_space<vmem>> -> memref<8xi32, #tpu.memory_space<vmem>>
            %dma_start3A_175 = arith.constant 0 : i32
            %dma_start3A_176 = arith.constant 0 : i32
            %dma_start3A_177 = tpu.memref_slice %arg2[%dma_start3A_175, %dma_start3A_176] : memref<8192x2048xf32, #tpu.memory_space<hbm>> -> memref<8192x2048xf32, #tpu.memory_space<hbm>>
            tpu.enqueue_indirect_dma source(%dma_start3A_177 : memref<8192x2048xf32, #tpu.memory_space<hbm>>) target(%arg10 : memref<8x2048xf32, #tpu.memory_space<vmem>>) offsets(%dma_start3A_174 : memref<8xi32, #tpu.memory_space<vmem>>) semaphore(%arg17 : memref<!tpu.dma_semaphore, #tpu.memory_space<semaphore_mem>>)
          } else {
          }
          %mul3A_157 = arith.constant 8 : i32
          %mul3A_158 = arith.muli %mul3A_150, %mul3A_157 : i32
          %dma_wait3A = tpu.memref_slice %arg13[%mul3A_158] : memref<1040xi32, #tpu.memory_space<vmem>> -> memref<8xi32, #tpu.memory_space<vmem>>
          %dma_wait3A_159 = arith.constant 0 : i32
          %dma_wait3A_160 = arith.constant 0 : i32
          %dma_wait3A_161 = tpu.memref_slice %arg2[%dma_wait3A_159, %dma_wait3A_160] : memref<8192x2048xf32, #tpu.memory_space<hbm>> -> memref<8192x2048xf32, #tpu.memory_space<hbm>>
          tpu.wait_indirect_dma semaphore(%arg16 : memref<!tpu.dma_semaphore, #tpu.memory_space<semaphore_mem>>) src(%dma_wait3A_161 : memref<8192x2048xf32, #tpu.memory_space<hbm>>) dst(%arg9 : memref<8x2048xf32, #tpu.memory_space<vmem>>)
          %scan3A_162 = arith.constant 0 : i32
          %scan3A_163 = arith.constant 0 : i32
          %scan3A_164 = arith.constant 8 : i32
          %scan3A_165 = arith.addi %scan3A_163, %scan3A_164 : i32
          %scan3A_166 = arith.constant 1 : i32
          scf.for %scan3A_172 = %scan3A_163 to %scan3A_165 step %scan3A_166  : i32 {
            %mul3A_173 = arith.constant 8 : i32
            %mul3A_174 = arith.muli %mul3A_150, %mul3A_173 : i32
            %add3A_175 = arith.addi %mul3A_174, %scan3A_172 : i32
            %lt3A_176 = arith.cmpi slt, %add3A_175, %scan3A_73 : i32
            %convert_element_type3A_177 = arith.extui %lt3A_176 : i1 to i32
            %cond3A_178 = arith.constant 0 : i32
            %cond3A_179 = arith.cmpi ne, %convert_element_type3A_177, %cond3A_178 : i32
            scf.if %cond3A_179 {
              %get3A = arith.index_cast %add3A_175 : i32 to index
              %get3A_180 = tpu.vector_load %arg14[%get3A] {strides = array<i32>} : memref<1040xi32, #tpu.memory_space<vmem>>, vector<16xi32>,
              %slice3A = vector.extract_strided_slice %get3A_180 {offsets = [0], sizes = [1], strides = [1]} : vector<16xi32> to vector<1xi32>
              %squeeze3A = vector.extract %slice3A[0] : i32 from vector<1xi32>
              %get3A_181 = arith.index_cast %add3A_175 : i32 to index
              %get3A_182 = tpu.vector_load %arg15[%get3A_181] {strides = array<i32>} : memref<1040xi32, #tpu.memory_space<vmem>>, vector<16xi32>,
              %slice3A_183 = vector.extract_strided_slice %get3A_182 {offsets = [0], sizes = [1], strides = [1]} : vector<16xi32> to vector<1xi32>
              %squeeze3A_184 = vector.extract %slice3A_183[0] : i32 from vector<1xi32>
              %max3A = arith.maxsi %squeeze3A, %mul3A_52 : i32
              %add3A_185 = arith.constant 16 : i32
              %add3A_186 = arith.addi %squeeze3A, %add3A_185 : i32
              %add3A_187 = arith.constant 16 : i32
              %add3A_188 = arith.addi %mul3A_52, %add3A_187 : i32
              %min3A = arith.minsi %add3A_186, %add3A_188 : i32
              %while3A_189 = arith.constant 0 : i32
              %while3A_190 = arith.subi %min3A, %max3A : i32
              %while3A_191 = arith.addi %max3A, %while3A_190 : i32
              %while3A_192 = arith.constant 1 : i32
              %while3A_193 = arith.divsi %while3A_190, %while3A_192 : i32
              %while3A_194 = arith.muli %while3A_193, %while3A_192 : i32
              %while3A_195 = arith.addi %max3A, %while3A_194 : i32
              %while3A_196 = arith.constant 1 : i32
              scf.for %while3A_198 = %max3A to %while3A_195 step %while3A_196  : i32 {
                %sub3A_199 = arith.subi %while3A_198, %mul3A_52 : i32
                %sub3A_200 = arith.subi %while3A_198, %squeeze3A : i32
                %mul3A_201 = arith.constant 512 : i32
                %mul3A_202 = arith.muli %sub3A_199, %mul3A_201 : i32
                %add3A_203 = arith.addi %mul3A_202, %squeeze3A_184 : i32
                %swap3A = arith.index_cast %add3A_203 : i32 to index
                %swap3A_204 = tpu.vector_load %arg8[%swap3A] {strides = array<i32>} : memref<8192xf32, #tpu.memory_space<vmem>>, vector<16xf32>,
                tpu.vector_store %arg8[%swap3A], %broadcast_in_dim3A_21 {add = true, strides = array<i32>} : memref<8192xf32, #tpu.memory_space<vmem>>, vector<16xf32>,
                %add3A_205 = arith.constant 0 : i32
                %add3A_206 = arith.addi %add3A_205, %sub3A_200 : i32
                %mul3A_207 = arith.constant 16 : i32
                %mul3A_208 = arith.muli %add3A_206, %mul3A_207 : i32
                %get3A_209 = arith.index_cast %scan3A_172 : i32 to index
                %get3A_210 = arith.index_cast %mul3A_208 : i32 to index
                %get3A_211 = tpu.vector_load %arg9[%get3A_209, %get3A_210] {strides = array<i32>} : memref<8x2048xf32, #tpu.memory_space<vmem>>, vector<16xf32>,
                %add3A_212 = arith.constant 0 : i32
                %add3A_213 = arith.addi %add3A_212, %sub3A_199 : i32
                %mul3A_214 = arith.constant 512 : i32
                %mul3A_215 = arith.muli %add3A_213, %mul3A_214 : i32
                %add3A_216 = arith.addi %mul3A_215, %squeeze3A_184 : i32
                %swap3A_217 = arith.index_cast %add3A_216 : i32 to index
                %swap3A_218 = tpu.vector_load %arg7[%swap3A_217] {strides = array<i32>} : memref<65536xf32, #tpu.memory_space<vmem>>, vector<16xf32>,
                tpu.vector_store %arg7[%swap3A_217], %get3A_211 {add = true, strides = array<i32>} : memref<65536xf32, #tpu.memory_space<vmem>>, vector<16xf32>,
                %add3A_219 = arith.constant 16 : i32
                %add3A_220 = arith.addi %add3A_219, %sub3A_200 : i32
                %mul3A_221 = arith.constant 16 : i32
                %mul3A_222 = arith.muli %add3A_220, %mul3A_221 : i32
                %get3A_223 = arith.index_cast %scan3A_172 : i32 to index
                %get3A_224 = arith.index_cast %mul3A_222 : i32 to index
                %get3A_225 = tpu.vector_load %arg9[%get3A_223, %get3A_224] {strides = array<i32>} : memref<8x2048xf32, #tpu.memory_space<vmem>>, vector<16xf32>,
                %add3A_226 = arith.constant 16 : i32
                %add3A_227 = arith.addi %add3A_226, %sub3A_199 : i32
                %mul3A_228 = arith.constant 512 : i32
                %mul3A_229 = arith.muli %add3A_227, %mul3A_228 : i32
                %add3A_230 = arith.addi %mul3A_229, %squeeze3A_184 : i32
                %swap3A_231 = arith.index_cast %add3A_230 : i32 to index
                %swap3A_232 = tpu.vector_load %arg7[%swap3A_231] {strides = array<i32>} : memref<65536xf32, #tpu.memory_space<vmem>>, vector<16xf32>,
                tpu.vector_store %arg7[%swap3A_231], %get3A_225 {add = true, strides = array<i32>} : memref<65536xf32, #tpu.memory_space<vmem>>, vector<16xf32>,
                %add3A_233 = arith.constant 32 : i32
                %add3A_234 = arith.addi %add3A_233, %sub3A_200 : i32
                %mul3A_235 = arith.constant 16 : i32
                %mul3A_236 = arith.muli %add3A_234, %mul3A_235 : i32
                %get3A_237 = arith.index_cast %scan3A_172 : i32 to index
                %get3A_238 = arith.index_cast %mul3A_236 : i32 to index
                %get3A_239 = tpu.vector_load %arg9[%get3A_237, %get3A_238] {strides = array<i32>} : memref<8x2048xf32, #tpu.memory_space<vmem>>, vector<16xf32>,
                %add3A_240 = arith.constant 32 : i32
                %add3A_241 = arith.addi %add3A_240, %sub3A_199 : i32
                %mul3A_242 = arith.constant 512 : i32
                %mul3A_243 = arith.muli %add3A_241, %mul3A_242 : i32
                %add3A_244 = arith.addi %mul3A_243, %squeeze3A_184 : i32
                %swap3A_245 = arith.index_cast %add3A_244 : i32 to index
                %swap3A_246 = tpu.vector_load %arg7[%swap3A_245] {strides = array<i32>} : memref<65536xf32, #tpu.memory_space<vmem>>, vector<16xf32>,
                tpu.vector_store %arg7[%swap3A_245], %get3A_239 {add = true, strides = array<i32>} : memref<65536xf32, #tpu.memory_space<vmem>>, vector<16xf32>,
                %add3A_247 = arith.constant 48 : i32
                %add3A_248 = arith.addi %add3A_247, %sub3A_200 : i32
                %mul3A_249 = arith.constant 16 : i32
                %mul3A_250 = arith.muli %add3A_248, %mul3A_249 : i32
                %get3A_251 = arith.index_cast %scan3A_172 : i32 to index
                %get3A_252 = arith.index_cast %mul3A_250 : i32 to index
                %get3A_253 = tpu.vector_load %arg9[%get3A_251, %get3A_252] {strides = array<i32>} : memref<8x2048xf32, #tpu.memory_space<vmem>>, vector<16xf32>,
                %add3A_254 = arith.constant 48 : i32
                %add3A_255 = arith.addi %add3A_254, %sub3A_199 : i32
                %mul3A_256 = arith.constant 512 : i32
                %mul3A_257 = arith.muli %add3A_255, %mul3A_256 : i32
                %add3A_258 = arith.addi %mul3A_257, %squeeze3A_184 : i32
                %swap3A_259 = arith.index_cast %add3A_258 : i32 to index
                %swap3A_260 = tpu.vector_load %arg7[%swap3A_259] {strides = array<i32>} : memref<65536xf32, #tpu.memory_space<vmem>>, vector<16xf32>,
                tpu.vector_store %arg7[%swap3A_259], %get3A_253 {add = true, strides = array<i32>} : memref<65536xf32, #tpu.memory_space<vmem>>, vector<16xf32>,
                %add3A_261 = arith.constant 64 : i32
                %add3A_262 = arith.addi %add3A_261, %sub3A_200 : i32
                %mul3A_263 = arith.constant 16 : i32
                %mul3A_264 = arith.muli %add3A_262, %mul3A_263 : i32
                %get3A_265 = arith.index_cast %scan3A_172 : i32 to index
                %get3A_266 = arith.index_cast %mul3A_264 : i32 to index
                %get3A_267 = tpu.vector_load %arg9[%get3A_265, %get3A_266] {strides = array<i32>} : memref<8x2048xf32, #tpu.memory_space<vmem>>, vector<16xf32>,
                %add3A_268 = arith.constant 64 : i32
                %add3A_269 = arith.addi %add3A_268, %sub3A_199 : i32
                %mul3A_270 = arith.constant 512 : i32
                %mul3A_271 = arith.muli %add3A_269, %mul3A_270 : i32
                %add3A_272 = arith.addi %mul3A_271, %squeeze3A_184 : i32
                %swap3A_273 = arith.index_cast %add3A_272 : i32 to index
                %swap3A_274 = tpu.vector_load %arg7[%swap3A_273] {strides = array<i32>} : memref<65536xf32, #tpu.memory_space<vmem>>, vector<16xf32>,
                tpu.vector_store %arg7[%swap3A_273], %get3A_267 {add = true, strides = array<i32>} : memref<65536xf32, #tpu.memory_space<vmem>>, vector<16xf32>,
                %add3A_275 = arith.constant 80 : i32
                %add3A_276 = arith.addi %add3A_275, %sub3A_200 : i32
                %mul3A_277 = arith.constant 16 : i32
                %mul3A_278 = arith.muli %add3A_276, %mul3A_277 : i32
                %get3A_279 = arith.index_cast %scan3A_172 : i32 to index
                %get3A_280 = arith.index_cast %mul3A_278 : i32 to index
                %get3A_281 = tpu.vector_load %arg9[%get3A_279, %get3A_280] {strides = array<i32>} : memref<8x2048xf32, #tpu.memory_space<vmem>>, vector<16xf32>,
                %add3A_282 = arith.constant 80 : i32
                %add3A_283 = arith.addi %add3A_282, %sub3A_199 : i32
                %mul3A_284 = arith.constant 512 : i32
                %mul3A_285 = arith.muli %add3A_283, %mul3A_284 : i32
                %add3A_286 = arith.addi %mul3A_285, %squeeze3A_184 : i32
                %swap3A_287 = arith.index_cast %add3A_286 : i32 to index
                %swap3A_288 = tpu.vector_load %arg7[%swap3A_287] {strides = array<i32>} : memref<65536xf32, #tpu.memory_space<vmem>>, vector<16xf32>,
                tpu.vector_store %arg7[%swap3A_287], %get3A_281 {add = true, strides = array<i32>} : memref<65536xf32, #tpu.memory_space<vmem>>, vector<16xf32>,
                %add3A_289 = arith.constant 96 : i32
                %add3A_290 = arith.addi %add3A_289, %sub3A_200 : i32
                %mul3A_291 = arith.constant 16 : i32
                %mul3A_292 = arith.muli %add3A_290, %mul3A_291 : i32
                %get3A_293 = arith.index_cast %scan3A_172 : i32 to index
                %get3A_294 = arith.index_cast %mul3A_292 : i32 to index
                %get3A_295 = tpu.vector_load %arg9[%get3A_293, %get3A_294] {strides = array<i32>} : memref<8x2048xf32, #tpu.memory_space<vmem>>, vector<16xf32>,
                %add3A_296 = arith.constant 96 : i32
                %add3A_297 = arith.addi %add3A_296, %sub3A_199 : i32
                %mul3A_298 = arith.constant 512 : i32
                %mul3A_299 = arith.muli %add3A_297, %mul3A_298 : i32
                %add3A_300 = arith.addi %mul3A_299, %squeeze3A_184 : i32
                %swap3A_301 = arith.index_cast %add3A_300 : i32 to index
                %swap3A_302 = tpu.vector_load %arg7[%swap3A_301] {strides = array<i32>} : memref<65536xf32, #tpu.memory_space<vmem>>, vector<16xf32>,
                tpu.vector_store %arg7[%swap3A_301], %get3A_295 {add = true, strides = array<i32>} : memref<65536xf32, #tpu.memory_space<vmem>>, vector<16xf32>,
                %add3A_303 = arith.constant 112 : i32
                %add3A_304 = arith.addi %add3A_303, %sub3A_200 : i32
                %mul3A_305 = arith.constant 16 : i32
                %mul3A_306 = arith.muli %add3A_304, %mul3A_305 : i32
                %get3A_307 = arith.index_cast %scan3A_172 : i32 to index
                %get3A_308 = arith.index_cast %mul3A_306 : i32 to index
                %get3A_309 = tpu.vector_load %arg9[%get3A_307, %get3A_308] {strides = array<i32>} : memref<8x2048xf32, #tpu.memory_space<vmem>>, vector<16xf32>,
                %add3A_310 = arith.constant 112 : i32
                %add3A_311 = arith.addi %add3A_310, %sub3A_199 : i32
                %mul3A_312 = arith.constant 512 : i32
                %mul3A_313 = arith.muli %add3A_311, %mul3A_312 : i32
                %add3A_314 = arith.addi %mul3A_313, %squeeze3A_184 : i32
                %swap3A_315 = arith.index_cast %add3A_314 : i32 to index
                %swap3A_316 = tpu.vector_load %arg7[%swap3A_315] {strides = array<i32>} : memref<65536xf32, #tpu.memory_space<vmem>>, vector<16xf32>,
                tpu.vector_store %arg7[%swap3A_315], %get3A_309 {add = true, strides = array<i32>} : memref<65536xf32, #tpu.memory_space<vmem>>, vector<16xf32>,
              }
              %while3A_197 = arith.constant 1 : i32
              scf.for %while3A_198 = %while3A_195 to %while3A_191 step %while3A_197  : i32 {
                %sub3A_199 = arith.subi %while3A_198, %mul3A_52 : i32
                %sub3A_200 = arith.subi %while3A_198, %squeeze3A : i32
                %mul3A_201 = arith.constant 512 : i32
                %mul3A_202 = arith.muli %sub3A_199, %mul3A_201 : i32
                %add3A_203 = arith.addi %mul3A_202, %squeeze3A_184 : i32
                %swap3A = arith.index_cast %add3A_203 : i32 to index
                %swap3A_204 = tpu.vector_load %arg8[%swap3A] {strides = array<i32>} : memref<8192xf32, #tpu.memory_space<vmem>>, vector<16xf32>,
                tpu.vector_store %arg8[%swap3A], %broadcast_in_dim3A_21 {add = true, strides = array<i32>} : memref<8192xf32, #tpu.memory_space<vmem>>, vector<16xf32>,
                %add3A_205 = arith.constant 0 : i32
                %add3A_206 = arith.addi %add3A_205, %sub3A_200 : i32
                %mul3A_207 = arith.constant 16 : i32
                %mul3A_208 = arith.muli %add3A_206, %mul3A_207 : i32
                %get3A_209 = arith.index_cast %scan3A_172 : i32 to index
                %get3A_210 = arith.index_cast %mul3A_208 : i32 to index
                %get3A_211 = tpu.vector_load %arg9[%get3A_209, %get3A_210] {strides = array<i32>} : memref<8x2048xf32, #tpu.memory_space<vmem>>, vector<16xf32>,
                %add3A_212 = arith.constant 0 : i32
                %add3A_213 = arith.addi %add3A_212, %sub3A_199 : i32
                %mul3A_214 = arith.constant 512 : i32
                %mul3A_215 = arith.muli %add3A_213, %mul3A_214 : i32
                %add3A_216 = arith.addi %mul3A_215, %squeeze3A_184 : i32
                %swap3A_217 = arith.index_cast %add3A_216 : i32 to index
                %swap3A_218 = tpu.vector_load %arg7[%swap3A_217] {strides = array<i32>} : memref<65536xf32, #tpu.memory_space<vmem>>, vector<16xf32>,
                tpu.vector_store %arg7[%swap3A_217], %get3A_211 {add = true, strides = array<i32>} : memref<65536xf32, #tpu.memory_space<vmem>>, vector<16xf32>,
                %add3A_219 = arith.constant 16 : i32
                %add3A_220 = arith.addi %add3A_219, %sub3A_200 : i32
                %mul3A_221 = arith.constant 16 : i32
                %mul3A_222 = arith.muli %add3A_220, %mul3A_221 : i32
                %get3A_223 = arith.index_cast %scan3A_172 : i32 to index
                %get3A_224 = arith.index_cast %mul3A_222 : i32 to index
                %get3A_225 = tpu.vector_load %arg9[%get3A_223, %get3A_224] {strides = array<i32>} : memref<8x2048xf32, #tpu.memory_space<vmem>>, vector<16xf32>,
                %add3A_226 = arith.constant 16 : i32
                %add3A_227 = arith.addi %add3A_226, %sub3A_199 : i32
                %mul3A_228 = arith.constant 512 : i32
                %mul3A_229 = arith.muli %add3A_227, %mul3A_228 : i32
                %add3A_230 = arith.addi %mul3A_229, %squeeze3A_184 : i32
                %swap3A_231 = arith.index_cast %add3A_230 : i32 to index
                %swap3A_232 = tpu.vector_load %arg7[%swap3A_231] {strides = array<i32>} : memref<65536xf32, #tpu.memory_space<vmem>>, vector<16xf32>,
                tpu.vector_store %arg7[%swap3A_231], %get3A_225 {add = true, strides = array<i32>} : memref<65536xf32, #tpu.memory_space<vmem>>, vector<16xf32>,
                %add3A_233 = arith.constant 32 : i32
                %add3A_234 = arith.addi %add3A_233, %sub3A_200 : i32
                %mul3A_235 = arith.constant 16 : i32
                %mul3A_236 = arith.muli %add3A_234, %mul3A_235 : i32
                %get3A_237 = arith.index_cast %scan3A_172 : i32 to index
                %get3A_238 = arith.index_cast %mul3A_236 : i32 to index
                %get3A_239 = tpu.vector_load %arg9[%get3A_237, %get3A_238] {strides = array<i32>} : memref<8x2048xf32, #tpu.memory_space<vmem>>, vector<16xf32>,
                %add3A_240 = arith.constant 32 : i32
                %add3A_241 = arith.addi %add3A_240, %sub3A_199 : i32
                %mul3A_242 = arith.constant 512 : i32
                %mul3A_243 = arith.muli %add3A_241, %mul3A_242 : i32
                %add3A_244 = arith.addi %mul3A_243, %squeeze3A_184 : i32
                %swap3A_245 = arith.index_cast %add3A_244 : i32 to index
                %swap3A_246 = tpu.vector_load %arg7[%swap3A_245] {strides = array<i32>} : memref<65536xf32, #tpu.memory_space<vmem>>, vector<16xf32>,
                tpu.vector_store %arg7[%swap3A_245], %get3A_239 {add = true, strides = array<i32>} : memref<65536xf32, #tpu.memory_space<vmem>>, vector<16xf32>,
                %add3A_247 = arith.constant 48 : i32
                %add3A_248 = arith.addi %add3A_247, %sub3A_200 : i32
                %mul3A_249 = arith.constant 16 : i32
                %mul3A_250 = arith.muli %add3A_248, %mul3A_249 : i32
                %get3A_251 = arith.index_cast %scan3A_172 : i32 to index
                %get3A_252 = arith.index_cast %mul3A_250 : i32 to index
                %get3A_253 = tpu.vector_load %arg9[%get3A_251, %get3A_252] {strides = array<i32>} : memref<8x2048xf32, #tpu.memory_space<vmem>>, vector<16xf32>,
                %add3A_254 = arith.constant 48 : i32
                %add3A_255 = arith.addi %add3A_254, %sub3A_199 : i32
                %mul3A_256 = arith.constant 512 : i32
                %mul3A_257 = arith.muli %add3A_255, %mul3A_256 : i32
                %add3A_258 = arith.addi %mul3A_257, %squeeze3A_184 : i32
                %swap3A_259 = arith.index_cast %add3A_258 : i32 to index
                %swap3A_260 = tpu.vector_load %arg7[%swap3A_259] {strides = array<i32>} : memref<65536xf32, #tpu.memory_space<vmem>>, vector<16xf32>,
                tpu.vector_store %arg7[%swap3A_259], %get3A_253 {add = true, strides = array<i32>} : memref<65536xf32, #tpu.memory_space<vmem>>, vector<16xf32>,
                %add3A_261 = arith.constant 64 : i32
                %add3A_262 = arith.addi %add3A_261, %sub3A_200 : i32
                %mul3A_263 = arith.constant 16 : i32
                %mul3A_264 = arith.muli %add3A_262, %mul3A_263 : i32
                %get3A_265 = arith.index_cast %scan3A_172 : i32 to index
                %get3A_266 = arith.index_cast %mul3A_264 : i32 to index
                %get3A_267 = tpu.vector_load %arg9[%get3A_265, %get3A_266] {strides = array<i32>} : memref<8x2048xf32, #tpu.memory_space<vmem>>, vector<16xf32>,
                %add3A_268 = arith.constant 64 : i32
                %add3A_269 = arith.addi %add3A_268, %sub3A_199 : i32
                %mul3A_270 = arith.constant 512 : i32
                %mul3A_271 = arith.muli %add3A_269, %mul3A_270 : i32
                %add3A_272 = arith.addi %mul3A_271, %squeeze3A_184 : i32
                %swap3A_273 = arith.index_cast %add3A_272 : i32 to index
                %swap3A_274 = tpu.vector_load %arg7[%swap3A_273] {strides = array<i32>} : memref<65536xf32, #tpu.memory_space<vmem>>, vector<16xf32>,
                tpu.vector_store %arg7[%swap3A_273], %get3A_267 {add = true, strides = array<i32>} : memref<65536xf32, #tpu.memory_space<vmem>>, vector<16xf32>,
                %add3A_275 = arith.constant 80 : i32
                %add3A_276 = arith.addi %add3A_275, %sub3A_200 : i32
                %mul3A_277 = arith.constant 16 : i32
                %mul3A_278 = arith.muli %add3A_276, %mul3A_277 : i32
                %get3A_279 = arith.index_cast %scan3A_172 : i32 to index
                %get3A_280 = arith.index_cast %mul3A_278 : i32 to index
                %get3A_281 = tpu.vector_load %arg9[%get3A_279, %get3A_280] {strides = array<i32>} : memref<8x2048xf32, #tpu.memory_space<vmem>>, vector<16xf32>,
                %add3A_282 = arith.constant 80 : i32
                %add3A_283 = arith.addi %add3A_282, %sub3A_199 : i32
                %mul3A_284 = arith.constant 512 : i32
                %mul3A_285 = arith.muli %add3A_283, %mul3A_284 : i32
                %add3A_286 = arith.addi %mul3A_285, %squeeze3A_184 : i32
                %swap3A_287 = arith.index_cast %add3A_286 : i32 to index
                %swap3A_288 = tpu.vector_load %arg7[%swap3A_287] {strides = array<i32>} : memref<65536xf32, #tpu.memory_space<vmem>>, vector<16xf32>,
                tpu.vector_store %arg7[%swap3A_287], %get3A_281 {add = true, strides = array<i32>} : memref<65536xf32, #tpu.memory_space<vmem>>, vector<16xf32>,
                %add3A_289 = arith.constant 96 : i32
                %add3A_290 = arith.addi %add3A_289, %sub3A_200 : i32
                %mul3A_291 = arith.constant 16 : i32
                %mul3A_292 = arith.muli %add3A_290, %mul3A_291 : i32
                %get3A_293 = arith.index_cast %scan3A_172 : i32 to index
                %get3A_294 = arith.index_cast %mul3A_292 : i32 to index
                %get3A_295 = tpu.vector_load %arg9[%get3A_293, %get3A_294] {strides = array<i32>} : memref<8x2048xf32, #tpu.memory_space<vmem>>, vector<16xf32>,
                %add3A_296 = arith.constant 96 : i32
                %add3A_297 = arith.addi %add3A_296, %sub3A_199 : i32
                %mul3A_298 = arith.constant 512 : i32
                %mul3A_299 = arith.muli %add3A_297, %mul3A_298 : i32
                %add3A_300 = arith.addi %mul3A_299, %squeeze3A_184 : i32
                %swap3A_301 = arith.index_cast %add3A_300 : i32 to index
                %swap3A_302 = tpu.vector_load %arg7[%swap3A_301] {strides = array<i32>} : memref<65536xf32, #tpu.memory_space<vmem>>, vector<16xf32>,
                tpu.vector_store %arg7[%swap3A_301], %get3A_295 {add = true, strides = array<i32>} : memref<65536xf32, #tpu.memory_space<vmem>>, vector<16xf32>,
                %add3A_303 = arith.constant 112 : i32
                %add3A_304 = arith.addi %add3A_303, %sub3A_200 : i32
                %mul3A_305 = arith.constant 16 : i32
                %mul3A_306 = arith.muli %add3A_304, %mul3A_305 : i32
                %get3A_307 = arith.index_cast %scan3A_172 : i32 to index
                %get3A_308 = arith.index_cast %mul3A_306 : i32 to index
                %get3A_309 = tpu.vector_load %arg9[%get3A_307, %get3A_308] {strides = array<i32>} : memref<8x2048xf32, #tpu.memory_space<vmem>>, vector<16xf32>,
                %add3A_310 = arith.constant 112 : i32
                %add3A_311 = arith.addi %add3A_310, %sub3A_199 : i32
                %mul3A_312 = arith.constant 512 : i32
                %mul3A_313 = arith.muli %add3A_311, %mul3A_312 : i32
                %add3A_314 = arith.addi %mul3A_313, %squeeze3A_184 : i32
                %swap3A_315 = arith.index_cast %add3A_314 : i32 to index
                %swap3A_316 = tpu.vector_load %arg7[%swap3A_315] {strides = array<i32>} : memref<65536xf32, #tpu.memory_space<vmem>>, vector<16xf32>,
                tpu.vector_store %arg7[%swap3A_315], %get3A_309 {add = true, strides = array<i32>} : memref<65536xf32, #tpu.memory_space<vmem>>, vector<16xf32>,
              }
            } else {
            }
          }
          %scan3A_167 = arith.constant 8 : i32
          %lt3A_168 = arith.cmpi slt, %add3A_152, %select_n3A_102 : i32
          %convert_element_type3A_169 = arith.extui %lt3A_168 : i1 to i32
          %cond3A_170 = arith.constant 0 : i32
          %cond3A_171 = arith.cmpi ne, %convert_element_type3A_169, %cond3A_170 : i32
          scf.if %cond3A_171 {
            %add3A_172 = arith.constant 1 : i32
            %add3A_173 = arith.addi %add3A_152, %add3A_172 : i32
            %lt3A_174 = arith.cmpi slt, %add3A_173, %select_n3A_102 : i32
            %convert_element_type3A_175 = arith.extui %lt3A_174 : i1 to i32
            %cond3A_176 = arith.constant 0 : i32
            %cond3A_177 = arith.cmpi ne, %convert_element_type3A_175, %cond3A_176 : i32
            scf.if %cond3A_177 {
              %add3A_190 = arith.constant 1 : i32
              %add3A_191 = arith.addi %add3A_152, %add3A_190 : i32
              %mul3A_192 = arith.constant 8 : i32
              %mul3A_193 = arith.muli %add3A_191, %mul3A_192 : i32
              %dma_start3A_194 = tpu.memref_slice %arg13[%mul3A_193] : memref<1040xi32, #tpu.memory_space<vmem>> -> memref<8xi32, #tpu.memory_space<vmem>>
              %dma_start3A_195 = arith.constant 0 : i32
              %dma_start3A_196 = arith.constant 0 : i32
              %dma_start3A_197 = tpu.memref_slice %arg2[%dma_start3A_195, %dma_start3A_196] : memref<8192x2048xf32, #tpu.memory_space<hbm>> -> memref<8192x2048xf32, #tpu.memory_space<hbm>>
              tpu.enqueue_indirect_dma source(%dma_start3A_197 : memref<8192x2048xf32, #tpu.memory_space<hbm>>) target(%arg9 : memref<8x2048xf32, #tpu.memory_space<vmem>>) offsets(%dma_start3A_194 : memref<8xi32, #tpu.memory_space<vmem>>) semaphore(%arg16 : memref<!tpu.dma_semaphore, #tpu.memory_space<semaphore_mem>>)
            } else {
            }
            %mul3A_178 = arith.constant 8 : i32
            %mul3A_179 = arith.muli %add3A_152, %mul3A_178 : i32
            %dma_wait3A_180 = tpu.memref_slice %arg13[%mul3A_179] : memref<1040xi32, #tpu.memory_space<vmem>> -> memref<8xi32, #tpu.memory_space<vmem>>
            %dma_wait3A_181 = arith.constant 0 : i32
            %dma_wait3A_182 = arith.constant 0 : i32
            %dma_wait3A_183 = tpu.memref_slice %arg2[%dma_wait3A_181, %dma_wait3A_182] : memref<8192x2048xf32, #tpu.memory_space<hbm>> -> memref<8192x2048xf32, #tpu.memory_space<hbm>>
            tpu.wait_indirect_dma semaphore(%arg17 : memref<!tpu.dma_semaphore, #tpu.memory_space<semaphore_mem>>) src(%dma_wait3A_183 : memref<8192x2048xf32, #tpu.memory_space<hbm>>) dst(%arg10 : memref<8x2048xf32, #tpu.memory_space<vmem>>)
            %scan3A_184 = arith.constant 0 : i32
            %scan3A_185 = arith.constant 0 : i32
            %scan3A_186 = arith.constant 8 : i32
            %scan3A_187 = arith.addi %scan3A_185, %scan3A_186 : i32
            %scan3A_188 = arith.constant 1 : i32
            scf.for %scan3A_190 = %scan3A_185 to %scan3A_187 step %scan3A_188  : i32 {
              %mul3A_191 = arith.constant 8 : i32
              %mul3A_192 = arith.muli %add3A_152, %mul3A_191 : i32
              %add3A_193 = arith.addi %mul3A_192, %scan3A_190 : i32
              %lt3A_194 = arith.cmpi slt, %add3A_193, %scan3A_73 : i32
              %convert_element_type3A_195 = arith.extui %lt3A_194 : i1 to i32
              %cond3A_196 = arith.constant 0 : i32
              %cond3A_197 = arith.cmpi ne, %convert_element_type3A_195, %cond3A_196 : i32
              scf.if %cond3A_197 {
                %get3A = arith.index_cast %add3A_193 : i32 to index
                %get3A_198 = tpu.vector_load %arg14[%get3A] {strides = array<i32>} : memref<1040xi32, #tpu.memory_space<vmem>>, vector<16xi32>,
                %slice3A = vector.extract_strided_slice %get3A_198 {offsets = [0], sizes = [1], strides = [1]} : vector<16xi32> to vector<1xi32>
                %squeeze3A = vector.extract %slice3A[0] : i32 from vector<1xi32>
                %get3A_199 = arith.index_cast %add3A_193 : i32 to index
                %get3A_200 = tpu.vector_load %arg15[%get3A_199] {strides = array<i32>} : memref<1040xi32, #tpu.memory_space<vmem>>, vector<16xi32>,
                %slice3A_201 = vector.extract_strided_slice %get3A_200 {offsets = [0], sizes = [1], strides = [1]} : vector<16xi32> to vector<1xi32>
                %squeeze3A_202 = vector.extract %slice3A_201[0] : i32 from vector<1xi32>
                %max3A = arith.maxsi %squeeze3A, %mul3A_52 : i32
                %add3A_203 = arith.constant 16 : i32
                %add3A_204 = arith.addi %squeeze3A, %add3A_203 : i32
                %add3A_205 = arith.constant 16 : i32
                %add3A_206 = arith.addi %mul3A_52, %add3A_205 : i32
                %min3A = arith.minsi %add3A_204, %add3A_206 : i32
                %while3A_207 = arith.constant 0 : i32
                %while3A_208 = arith.subi %min3A, %max3A : i32
                %while3A_209 = arith.addi %max3A, %while3A_208 : i32
                %while3A_210 = arith.constant 1 : i32
                %while3A_211 = arith.divsi %while3A_208, %while3A_210 : i32
                %while3A_212 = arith.muli %while3A_211, %while3A_210 : i32
                %while3A_213 = arith.addi %max3A, %while3A_212 : i32
                %while3A_214 = arith.constant 1 : i32
                scf.for %while3A_216 = %max3A to %while3A_213 step %while3A_214  : i32 {
                  %sub3A_217 = arith.subi %while3A_216, %mul3A_52 : i32
                  %sub3A_218 = arith.subi %while3A_216, %squeeze3A : i32
                  %mul3A_219 = arith.constant 512 : i32
                  %mul3A_220 = arith.muli %sub3A_217, %mul3A_219 : i32
                  %add3A_221 = arith.addi %mul3A_220, %squeeze3A_202 : i32
                  %swap3A = arith.index_cast %add3A_221 : i32 to index
                  %swap3A_222 = tpu.vector_load %arg8[%swap3A] {strides = array<i32>} : memref<8192xf32, #tpu.memory_space<vmem>>, vector<16xf32>,
                  tpu.vector_store %arg8[%swap3A], %broadcast_in_dim3A_21 {add = true, strides = array<i32>} : memref<8192xf32, #tpu.memory_space<vmem>>, vector<16xf32>,
                  %add3A_223 = arith.constant 0 : i32
                  %add3A_224 = arith.addi %add3A_223, %sub3A_218 : i32
                  %mul3A_225 = arith.constant 16 : i32
                  %mul3A_226 = arith.muli %add3A_224, %mul3A_225 : i32
                  %get3A_227 = arith.index_cast %scan3A_190 : i32 to index
                  %get3A_228 = arith.index_cast %mul3A_226 : i32 to index
                  %get3A_229 = tpu.vector_load %arg10[%get3A_227, %get3A_228] {strides = array<i32>} : memref<8x2048xf32, #tpu.memory_space<vmem>>, vector<16xf32>,
                  %add3A_230 = arith.constant 0 : i32
                  %add3A_231 = arith.addi %add3A_230, %sub3A_217 : i32
                  %mul3A_232 = arith.constant 512 : i32
                  %mul3A_233 = arith.muli %add3A_231, %mul3A_232 : i32
                  %add3A_234 = arith.addi %mul3A_233, %squeeze3A_202 : i32
                  %swap3A_235 = arith.index_cast %add3A_234 : i32 to index
                  %swap3A_236 = tpu.vector_load %arg7[%swap3A_235] {strides = array<i32>} : memref<65536xf32, #tpu.memory_space<vmem>>, vector<16xf32>,
                  tpu.vector_store %arg7[%swap3A_235], %get3A_229 {add = true, strides = array<i32>} : memref<65536xf32, #tpu.memory_space<vmem>>, vector<16xf32>,
                  %add3A_237 = arith.constant 16 : i32
                  %add3A_238 = arith.addi %add3A_237, %sub3A_218 : i32
                  %mul3A_239 = arith.constant 16 : i32
                  %mul3A_240 = arith.muli %add3A_238, %mul3A_239 : i32
                  %get3A_241 = arith.index_cast %scan3A_190 : i32 to index
                  %get3A_242 = arith.index_cast %mul3A_240 : i32 to index
                  %get3A_243 = tpu.vector_load %arg10[%get3A_241, %get3A_242] {strides = array<i32>} : memref<8x2048xf32, #tpu.memory_space<vmem>>, vector<16xf32>,
                  %add3A_244 = arith.constant 16 : i32
                  %add3A_245 = arith.addi %add3A_244, %sub3A_217 : i32
                  %mul3A_246 = arith.constant 512 : i32
                  %mul3A_247 = arith.muli %add3A_245, %mul3A_246 : i32
                  %add3A_248 = arith.addi %mul3A_247, %squeeze3A_202 : i32
                  %swap3A_249 = arith.index_cast %add3A_248 : i32 to index
                  %swap3A_250 = tpu.vector_load %arg7[%swap3A_249] {strides = array<i32>} : memref<65536xf32, #tpu.memory_space<vmem>>, vector<16xf32>,
                  tpu.vector_store %arg7[%swap3A_249], %get3A_243 {add = true, strides = array<i32>} : memref<65536xf32, #tpu.memory_space<vmem>>, vector<16xf32>,
                  %add3A_251 = arith.constant 32 : i32
                  %add3A_252 = arith.addi %add3A_251, %sub3A_218 : i32
                  %mul3A_253 = arith.constant 16 : i32
                  %mul3A_254 = arith.muli %add3A_252, %mul3A_253 : i32
                  %get3A_255 = arith.index_cast %scan3A_190 : i32 to index
                  %get3A_256 = arith.index_cast %mul3A_254 : i32 to index
                  %get3A_257 = tpu.vector_load %arg10[%get3A_255, %get3A_256] {strides = array<i32>} : memref<8x2048xf32, #tpu.memory_space<vmem>>, vector<16xf32>,
                  %add3A_258 = arith.constant 32 : i32
                  %add3A_259 = arith.addi %add3A_258, %sub3A_217 : i32
                  %mul3A_260 = arith.constant 512 : i32
                  %mul3A_261 = arith.muli %add3A_259, %mul3A_260 : i32
                  %add3A_262 = arith.addi %mul3A_261, %squeeze3A_202 : i32
                  %swap3A_263 = arith.index_cast %add3A_262 : i32 to index
                  %swap3A_264 = tpu.vector_load %arg7[%swap3A_263] {strides = array<i32>} : memref<65536xf32, #tpu.memory_space<vmem>>, vector<16xf32>,
                  tpu.vector_store %arg7[%swap3A_263], %get3A_257 {add = true, strides = array<i32>} : memref<65536xf32, #tpu.memory_space<vmem>>, vector<16xf32>,
                  %add3A_265 = arith.constant 48 : i32
                  %add3A_266 = arith.addi %add3A_265, %sub3A_218 : i32
                  %mul3A_267 = arith.constant 16 : i32
                  %mul3A_268 = arith.muli %add3A_266, %mul3A_267 : i32
                  %get3A_269 = arith.index_cast %scan3A_190 : i32 to index
                  %get3A_270 = arith.index_cast %mul3A_268 : i32 to index
                  %get3A_271 = tpu.vector_load %arg10[%get3A_269, %get3A_270] {strides = array<i32>} : memref<8x2048xf32, #tpu.memory_space<vmem>>, vector<16xf32>,
                  %add3A_272 = arith.constant 48 : i32
                  %add3A_273 = arith.addi %add3A_272, %sub3A_217 : i32
                  %mul3A_274 = arith.constant 512 : i32
                  %mul3A_275 = arith.muli %add3A_273, %mul3A_274 : i32
                  %add3A_276 = arith.addi %mul3A_275, %squeeze3A_202 : i32
                  %swap3A_277 = arith.index_cast %add3A_276 : i32 to index
                  %swap3A_278 = tpu.vector_load %arg7[%swap3A_277] {strides = array<i32>} : memref<65536xf32, #tpu.memory_space<vmem>>, vector<16xf32>,
                  tpu.vector_store %arg7[%swap3A_277], %get3A_271 {add = true, strides = array<i32>} : memref<65536xf32, #tpu.memory_space<vmem>>, vector<16xf32>,
                  %add3A_279 = arith.constant 64 : i32
                  %add3A_280 = arith.addi %add3A_279, %sub3A_218 : i32
                  %mul3A_281 = arith.constant 16 : i32
                  %mul3A_282 = arith.muli %add3A_280, %mul3A_281 : i32
                  %get3A_283 = arith.index_cast %scan3A_190 : i32 to index
                  %get3A_284 = arith.index_cast %mul3A_282 : i32 to index
                  %get3A_285 = tpu.vector_load %arg10[%get3A_283, %get3A_284] {strides = array<i32>} : memref<8x2048xf32, #tpu.memory_space<vmem>>, vector<16xf32>,
                  %add3A_286 = arith.constant 64 : i32
                  %add3A_287 = arith.addi %add3A_286, %sub3A_217 : i32
                  %mul3A_288 = arith.constant 512 : i32
                  %mul3A_289 = arith.muli %add3A_287, %mul3A_288 : i32
                  %add3A_290 = arith.addi %mul3A_289, %squeeze3A_202 : i32
                  %swap3A_291 = arith.index_cast %add3A_290 : i32 to index
                  %swap3A_292 = tpu.vector_load %arg7[%swap3A_291] {strides = array<i32>} : memref<65536xf32, #tpu.memory_space<vmem>>, vector<16xf32>,
                  tpu.vector_store %arg7[%swap3A_291], %get3A_285 {add = true, strides = array<i32>} : memref<65536xf32, #tpu.memory_space<vmem>>, vector<16xf32>,
                  %add3A_293 = arith.constant 80 : i32
                  %add3A_294 = arith.addi %add3A_293, %sub3A_218 : i32
                  %mul3A_295 = arith.constant 16 : i32
                  %mul3A_296 = arith.muli %add3A_294, %mul3A_295 : i32
                  %get3A_297 = arith.index_cast %scan3A_190 : i32 to index
                  %get3A_298 = arith.index_cast %mul3A_296 : i32 to index
                  %get3A_299 = tpu.vector_load %arg10[%get3A_297, %get3A_298] {strides = array<i32>} : memref<8x2048xf32, #tpu.memory_space<vmem>>, vector<16xf32>,
                  %add3A_300 = arith.constant 80 : i32
                  %add3A_301 = arith.addi %add3A_300, %sub3A_217 : i32
                  %mul3A_302 = arith.constant 512 : i32
                  %mul3A_303 = arith.muli %add3A_301, %mul3A_302 : i32
                  %add3A_304 = arith.addi %mul3A_303, %squeeze3A_202 : i32
                  %swap3A_305 = arith.index_cast %add3A_304 : i32 to index
                  %swap3A_306 = tpu.vector_load %arg7[%swap3A_305] {strides = array<i32>} : memref<65536xf32, #tpu.memory_space<vmem>>, vector<16xf32>,
                  tpu.vector_store %arg7[%swap3A_305], %get3A_299 {add = true, strides = array<i32>} : memref<65536xf32, #tpu.memory_space<vmem>>, vector<16xf32>,
                  %add3A_307 = arith.constant 96 : i32
                  %add3A_308 = arith.addi %add3A_307, %sub3A_218 : i32
                  %mul3A_309 = arith.constant 16 : i32
                  %mul3A_310 = arith.muli %add3A_308, %mul3A_309 : i32
                  %get3A_311 = arith.index_cast %scan3A_190 : i32 to index
                  %get3A_312 = arith.index_cast %mul3A_310 : i32 to index
                  %get3A_313 = tpu.vector_load %arg10[%get3A_311, %get3A_312] {strides = array<i32>} : memref<8x2048xf32, #tpu.memory_space<vmem>>, vector<16xf32>,
                  %add3A_314 = arith.constant 96 : i32
                  %add3A_315 = arith.addi %add3A_314, %sub3A_217 : i32
                  %mul3A_316 = arith.constant 512 : i32
                  %mul3A_317 = arith.muli %add3A_315, %mul3A_316 : i32
                  %add3A_318 = arith.addi %mul3A_317, %squeeze3A_202 : i32
                  %swap3A_319 = arith.index_cast %add3A_318 : i32 to index
                  %swap3A_320 = tpu.vector_load %arg7[%swap3A_319] {strides = array<i32>} : memref<65536xf32, #tpu.memory_space<vmem>>, vector<16xf32>,
                  tpu.vector_store %arg7[%swap3A_319], %get3A_313 {add = true, strides = array<i32>} : memref<65536xf32, #tpu.memory_space<vmem>>, vector<16xf32>,
                  %add3A_321 = arith.constant 112 : i32
                  %add3A_322 = arith.addi %add3A_321, %sub3A_218 : i32
                  %mul3A_323 = arith.constant 16 : i32
                  %mul3A_324 = arith.muli %add3A_322, %mul3A_323 : i32
                  %get3A_325 = arith.index_cast %scan3A_190 : i32 to index
                  %get3A_326 = arith.index_cast %mul3A_324 : i32 to index
                  %get3A_327 = tpu.vector_load %arg10[%get3A_325, %get3A_326] {strides = array<i32>} : memref<8x2048xf32, #tpu.memory_space<vmem>>, vector<16xf32>,
                  %add3A_328 = arith.constant 112 : i32
                  %add3A_329 = arith.addi %add3A_328, %sub3A_217 : i32
                  %mul3A_330 = arith.constant 512 : i32
                  %mul3A_331 = arith.muli %add3A_329, %mul3A_330 : i32
                  %add3A_332 = arith.addi %mul3A_331, %squeeze3A_202 : i32
                  %swap3A_333 = arith.index_cast %add3A_332 : i32 to index
                  %swap3A_334 = tpu.vector_load %arg7[%swap3A_333] {strides = array<i32>} : memref<65536xf32, #tpu.memory_space<vmem>>, vector<16xf32>,
                  tpu.vector_store %arg7[%swap3A_333], %get3A_327 {add = true, strides = array<i32>} : memref<65536xf32, #tpu.memory_space<vmem>>, vector<16xf32>,
                }
                %while3A_215 = arith.constant 1 : i32
                scf.for %while3A_216 = %while3A_213 to %while3A_209 step %while3A_215  : i32 {
                  %sub3A_217 = arith.subi %while3A_216, %mul3A_52 : i32
                  %sub3A_218 = arith.subi %while3A_216, %squeeze3A : i32
                  %mul3A_219 = arith.constant 512 : i32
                  %mul3A_220 = arith.muli %sub3A_217, %mul3A_219 : i32
                  %add3A_221 = arith.addi %mul3A_220, %squeeze3A_202 : i32
                  %swap3A = arith.index_cast %add3A_221 : i32 to index
                  %swap3A_222 = tpu.vector_load %arg8[%swap3A] {strides = array<i32>} : memref<8192xf32, #tpu.memory_space<vmem>>, vector<16xf32>,
                  tpu.vector_store %arg8[%swap3A], %broadcast_in_dim3A_21 {add = true, strides = array<i32>} : memref<8192xf32, #tpu.memory_space<vmem>>, vector<16xf32>,
                  %add3A_223 = arith.constant 0 : i32
                  %add3A_224 = arith.addi %add3A_223, %sub3A_218 : i32
                  %mul3A_225 = arith.constant 16 : i32
                  %mul3A_226 = arith.muli %add3A_224, %mul3A_225 : i32
                  %get3A_227 = arith.index_cast %scan3A_190 : i32 to index
                  %get3A_228 = arith.index_cast %mul3A_226 : i32 to index
                  %get3A_229 = tpu.vector_load %arg10[%get3A_227, %get3A_228] {strides = array<i32>} : memref<8x2048xf32, #tpu.memory_space<vmem>>, vector<16xf32>,
                  %add3A_230 = arith.constant 0 : i32
                  %add3A_231 = arith.addi %add3A_230, %sub3A_217 : i32
                  %mul3A_232 = arith.constant 512 : i32
                  %mul3A_233 = arith.muli %add3A_231, %mul3A_232 : i32
                  %add3A_234 = arith.addi %mul3A_233, %squeeze3A_202 : i32
                  %swap3A_235 = arith.index_cast %add3A_234 : i32 to index
                  %swap3A_236 = tpu.vector_load %arg7[%swap3A_235] {strides = array<i32>} : memref<65536xf32, #tpu.memory_space<vmem>>, vector<16xf32>,
                  tpu.vector_store %arg7[%swap3A_235], %get3A_229 {add = true, strides = array<i32>} : memref<65536xf32, #tpu.memory_space<vmem>>, vector<16xf32>,
                  %add3A_237 = arith.constant 16 : i32
                  %add3A_238 = arith.addi %add3A_237, %sub3A_218 : i32
                  %mul3A_239 = arith.constant 16 : i32
                  %mul3A_240 = arith.muli %add3A_238, %mul3A_239 : i32
                  %get3A_241 = arith.index_cast %scan3A_190 : i32 to index
                  %get3A_242 = arith.index_cast %mul3A_240 : i32 to index
                  %get3A_243 = tpu.vector_load %arg10[%get3A_241, %get3A_242] {strides = array<i32>} : memref<8x2048xf32, #tpu.memory_space<vmem>>, vector<16xf32>,
                  %add3A_244 = arith.constant 16 : i32
                  %add3A_245 = arith.addi %add3A_244, %sub3A_217 : i32
                  %mul3A_246 = arith.constant 512 : i32
                  %mul3A_247 = arith.muli %add3A_245, %mul3A_246 : i32
                  %add3A_248 = arith.addi %mul3A_247, %squeeze3A_202 : i32
                  %swap3A_249 = arith.index_cast %add3A_248 : i32 to index
                  %swap3A_250 = tpu.vector_load %arg7[%swap3A_249] {strides = array<i32>} : memref<65536xf32, #tpu.memory_space<vmem>>, vector<16xf32>,
                  tpu.vector_store %arg7[%swap3A_249], %get3A_243 {add = true, strides = array<i32>} : memref<65536xf32, #tpu.memory_space<vmem>>, vector<16xf32>,
                  %add3A_251 = arith.constant 32 : i32
                  %add3A_252 = arith.addi %add3A_251, %sub3A_218 : i32
                  %mul3A_253 = arith.constant 16 : i32
                  %mul3A_254 = arith.muli %add3A_252, %mul3A_253 : i32
                  %get3A_255 = arith.index_cast %scan3A_190 : i32 to index
                  %get3A_256 = arith.index_cast %mul3A_254 : i32 to index
                  %get3A_257 = tpu.vector_load %arg10[%get3A_255, %get3A_256] {strides = array<i32>} : memref<8x2048xf32, #tpu.memory_space<vmem>>, vector<16xf32>,
                  %add3A_258 = arith.constant 32 : i32
                  %add3A_259 = arith.addi %add3A_258, %sub3A_217 : i32
                  %mul3A_260 = arith.constant 512 : i32
                  %mul3A_261 = arith.muli %add3A_259, %mul3A_260 : i32
                  %add3A_262 = arith.addi %mul3A_261, %squeeze3A_202 : i32
                  %swap3A_263 = arith.index_cast %add3A_262 : i32 to index
                  %swap3A_264 = tpu.vector_load %arg7[%swap3A_263] {strides = array<i32>} : memref<65536xf32, #tpu.memory_space<vmem>>, vector<16xf32>,
                  tpu.vector_store %arg7[%swap3A_263], %get3A_257 {add = true, strides = array<i32>} : memref<65536xf32, #tpu.memory_space<vmem>>, vector<16xf32>,
                  %add3A_265 = arith.constant 48 : i32
                  %add3A_266 = arith.addi %add3A_265, %sub3A_218 : i32
                  %mul3A_267 = arith.constant 16 : i32
                  %mul3A_268 = arith.muli %add3A_266, %mul3A_267 : i32
                  %get3A_269 = arith.index_cast %scan3A_190 : i32 to index
                  %get3A_270 = arith.index_cast %mul3A_268 : i32 to index
                  %get3A_271 = tpu.vector_load %arg10[%get3A_269, %get3A_270] {strides = array<i32>} : memref<8x2048xf32, #tpu.memory_space<vmem>>, vector<16xf32>,
                  %add3A_272 = arith.constant 48 : i32
                  %add3A_273 = arith.addi %add3A_272, %sub3A_217 : i32
                  %mul3A_274 = arith.constant 512 : i32
                  %mul3A_275 = arith.muli %add3A_273, %mul3A_274 : i32
                  %add3A_276 = arith.addi %mul3A_275, %squeeze3A_202 : i32
                  %swap3A_277 = arith.index_cast %add3A_276 : i32 to index
                  %swap3A_278 = tpu.vector_load %arg7[%swap3A_277] {strides = array<i32>} : memref<65536xf32, #tpu.memory_space<vmem>>, vector<16xf32>,
                  tpu.vector_store %arg7[%swap3A_277], %get3A_271 {add = true, strides = array<i32>} : memref<65536xf32, #tpu.memory_space<vmem>>, vector<16xf32>,
                  %add3A_279 = arith.constant 64 : i32
                  %add3A_280 = arith.addi %add3A_279, %sub3A_218 : i32
                  %mul3A_281 = arith.constant 16 : i32
                  %mul3A_282 = arith.muli %add3A_280, %mul3A_281 : i32
                  %get3A_283 = arith.index_cast %scan3A_190 : i32 to index
                  %get3A_284 = arith.index_cast %mul3A_282 : i32 to index
                  %get3A_285 = tpu.vector_load %arg10[%get3A_283, %get3A_284] {strides = array<i32>} : memref<8x2048xf32, #tpu.memory_space<vmem>>, vector<16xf32>,
                  %add3A_286 = arith.constant 64 : i32
                  %add3A_287 = arith.addi %add3A_286, %sub3A_217 : i32
                  %mul3A_288 = arith.constant 512 : i32
                  %mul3A_289 = arith.muli %add3A_287, %mul3A_288 : i32
                  %add3A_290 = arith.addi %mul3A_289, %squeeze3A_202 : i32
                  %swap3A_291 = arith.index_cast %add3A_290 : i32 to index
                  %swap3A_292 = tpu.vector_load %arg7[%swap3A_291] {strides = array<i32>} : memref<65536xf32, #tpu.memory_space<vmem>>, vector<16xf32>,
                  tpu.vector_store %arg7[%swap3A_291], %get3A_285 {add = true, strides = array<i32>} : memref<65536xf32, #tpu.memory_space<vmem>>, vector<16xf32>,
                  %add3A_293 = arith.constant 80 : i32
                  %add3A_294 = arith.addi %add3A_293, %sub3A_218 : i32
                  %mul3A_295 = arith.constant 16 : i32
                  %mul3A_296 = arith.muli %add3A_294, %mul3A_295 : i32
                  %get3A_297 = arith.index_cast %scan3A_190 : i32 to index
                  %get3A_298 = arith.index_cast %mul3A_296 : i32 to index
                  %get3A_299 = tpu.vector_load %arg10[%get3A_297, %get3A_298] {strides = array<i32>} : memref<8x2048xf32, #tpu.memory_space<vmem>>, vector<16xf32>,
                  %add3A_300 = arith.constant 80 : i32
                  %add3A_301 = arith.addi %add3A_300, %sub3A_217 : i32
                  %mul3A_302 = arith.constant 512 : i32
                  %mul3A_303 = arith.muli %add3A_301, %mul3A_302 : i32
                  %add3A_304 = arith.addi %mul3A_303, %squeeze3A_202 : i32
                  %swap3A_305 = arith.index_cast %add3A_304 : i32 to index
                  %swap3A_306 = tpu.vector_load %arg7[%swap3A_305] {strides = array<i32>} : memref<65536xf32, #tpu.memory_space<vmem>>, vector<16xf32>,
                  tpu.vector_store %arg7[%swap3A_305], %get3A_299 {add = true, strides = array<i32>} : memref<65536xf32, #tpu.memory_space<vmem>>, vector<16xf32>,
                  %add3A_307 = arith.constant 96 : i32
                  %add3A_308 = arith.addi %add3A_307, %sub3A_218 : i32
                  %mul3A_309 = arith.constant 16 : i32
                  %mul3A_310 = arith.muli %add3A_308, %mul3A_309 : i32
                  %get3A_311 = arith.index_cast %scan3A_190 : i32 to index
                  %get3A_312 = arith.index_cast %mul3A_310 : i32 to index
                  %get3A_313 = tpu.vector_load %arg10[%get3A_311, %get3A_312] {strides = array<i32>} : memref<8x2048xf32, #tpu.memory_space<vmem>>, vector<16xf32>,
                  %add3A_314 = arith.constant 96 : i32
                  %add3A_315 = arith.addi %add3A_314, %sub3A_217 : i32
                  %mul3A_316 = arith.constant 512 : i32
                  %mul3A_317 = arith.muli %add3A_315, %mul3A_316 : i32
                  %add3A_318 = arith.addi %mul3A_317, %squeeze3A_202 : i32
                  %swap3A_319 = arith.index_cast %add3A_318 : i32 to index
                  %swap3A_320 = tpu.vector_load %arg7[%swap3A_319] {strides = array<i32>} : memref<65536xf32, #tpu.memory_space<vmem>>, vector<16xf32>,
                  tpu.vector_store %arg7[%swap3A_319], %get3A_313 {add = true, strides = array<i32>} : memref<65536xf32, #tpu.memory_space<vmem>>, vector<16xf32>,
                  %add3A_321 = arith.constant 112 : i32
                  %add3A_322 = arith.addi %add3A_321, %sub3A_218 : i32
                  %mul3A_323 = arith.constant 16 : i32
                  %mul3A_324 = arith.muli %add3A_322, %mul3A_323 : i32
                  %get3A_325 = arith.index_cast %scan3A_190 : i32 to index
                  %get3A_326 = arith.index_cast %mul3A_324 : i32 to index
                  %get3A_327 = tpu.vector_load %arg10[%get3A_325, %get3A_326] {strides = array<i32>} : memref<8x2048xf32, #tpu.memory_space<vmem>>, vector<16xf32>,
                  %add3A_328 = arith.constant 112 : i32
                  %add3A_329 = arith.addi %add3A_328, %sub3A_217 : i32
                  %mul3A_330 = arith.constant 512 : i32
                  %mul3A_331 = arith.muli %add3A_329, %mul3A_330 : i32
                  %add3A_332 = arith.addi %mul3A_331, %squeeze3A_202 : i32
                  %swap3A_333 = arith.index_cast %add3A_332 : i32 to index
                  %swap3A_334 = tpu.vector_load %arg7[%swap3A_333] {strides = array<i32>} : memref<65536xf32, #tpu.memory_space<vmem>>, vector<16xf32>,
                  tpu.vector_store %arg7[%swap3A_333], %get3A_327 {add = true, strides = array<i32>} : memref<65536xf32, #tpu.memory_space<vmem>>, vector<16xf32>,
                }
              } else {
              }
            }
            %scan3A_189 = arith.constant 8 : i32
          } else {
          }
        }
      } else {
      }
      %mul3A_105 = arith.constant 65536 : i32
      %mul3A_106 = arith.muli %add3A_55, %mul3A_105 : i32
      "tpu.region"() ({
        %run_scoped3A = tpu.sem_alloc : memref<!tpu.dma_semaphore, #tpu.memory_space<semaphore_mem>>
        %dma_start3A = tpu.memref_slice %arg5[%mul3A_106] : memref<16777216xf32, #tpu.memory_space<hbm>> -> memref<65536xf32, #tpu.memory_space<hbm>>
        %dma_start3A_109 = tpu.memref_slice %arg5[%mul3A_106] : memref<16777216xf32, #tpu.memory_space<hbm>> -> memref<65536xf32, #tpu.memory_space<hbm>>
        tpu.enqueue_dma source(%arg7 : memref<65536xf32, #tpu.memory_space<vmem>>) target(%dma_start3A_109 : memref<65536xf32, #tpu.memory_space<hbm>>) target_semaphore(%run_scoped3A : memref<!tpu.dma_semaphore, #tpu.memory_space<semaphore_mem>>)
        %dma_wait3A = tpu.memref_slice %arg5[%mul3A_106] : memref<16777216xf32, #tpu.memory_space<hbm>> -> memref<65536xf32, #tpu.memory_space<hbm>>
        %dma_wait3A_110 = tpu.memref_slice %arg5[%mul3A_106] : memref<16777216xf32, #tpu.memory_space<hbm>> -> memref<65536xf32, #tpu.memory_space<hbm>>
        tpu.wait_dma2 semaphore(%run_scoped3A : memref<!tpu.dma_semaphore, #tpu.memory_space<semaphore_mem>>) src(%arg7 : memref<65536xf32, #tpu.memory_space<vmem>>) dst(%dma_wait3A_110 : memref<65536xf32, #tpu.memory_space<hbm>>)
        tpu.yield
      }) : () -> ()
      %mul3A_107 = arith.constant 8192 : i32
      %mul3A_108 = arith.muli %add3A_55, %mul3A_107 : i32
      "tpu.region"() ({
        %run_scoped3A = tpu.sem_alloc : memref<!tpu.dma_semaphore, #tpu.memory_space<semaphore_mem>>
        %dma_start3A = tpu.memref_slice %arg6[%mul3A_108] : memref<2097152xf32, #tpu.memory_space<hbm>> -> memref<8192xf32, #tpu.memory_space<hbm>>
        %dma_start3A_109 = tpu.memref_slice %arg6[%mul3A_108] : memref<2097152xf32, #tpu.memory_space<hbm>> -> memref<8192xf32, #tpu.memory_space<hbm>>
        tpu.enqueue_dma source(%arg8 : memref<8192xf32, #tpu.memory_space<vmem>>) target(%dma_start3A_109 : memref<8192xf32, #tpu.memory_space<hbm>>) target_semaphore(%run_scoped3A : memref<!tpu.dma_semaphore, #tpu.memory_space<semaphore_mem>>)
        %dma_wait3A = tpu.memref_slice %arg6[%mul3A_108] : memref<2097152xf32, #tpu.memory_space<hbm>> -> memref<8192xf32, #tpu.memory_space<hbm>>
        %dma_wait3A_110 = tpu.memref_slice %arg6[%mul3A_108] : memref<2097152xf32, #tpu.memory_space<hbm>> -> memref<8192xf32, #tpu.memory_space<hbm>>
        tpu.wait_dma2 semaphore(%run_scoped3A : memref<!tpu.dma_semaphore, #tpu.memory_space<semaphore_mem>>) src(%arg8 : memref<8192xf32, #tpu.memory_space<vmem>>) dst(%dma_wait3A_110 : memref<8192xf32, #tpu.memory_space<hbm>>)
        tpu.yield
      }) : () -> ()
    }
    %scan3A_32 = arith.constant 8 : i32
    return
  }
}

module attributes {stable_mosaic.version = 14 : i64} {
  func.func @body(%arg0: i32, %arg1: i32, %arg2: i32, %arg3: memref<1x8x1x16x512xf32, #tpu.memory_space<vmem>>, %arg4: memref<1x8x1x16x512xf32, #tpu.memory_space<vmem>>, %arg5: memref<1x1x128x512xf32, #tpu.memory_space<vmem>>) attributes {dimension_semantics = [#tpu.dimension_semantics<arbitrary>, #tpu.dimension_semantics<arbitrary>, #tpu.dimension_semantics<arbitrary>], iteration_bounds = array<i64: 8, 8, 4>, scalar_prefetch = 0 : i64, scratch_operands = 0 : i64, tpu.core_type = #tpu.core_type<tc>, window_params = [{transform_indices = @transform_0, window_bounds = array<i64: 1, 8, 1, 16, 512>}, {transform_indices = @transform_1, window_bounds = array<i64: 1, 8, 1, 16, 512>}, {transform_indices = @transform_2, window_bounds = array<i64: 1, 1, 128, 512>}]} {
    %get3A = arith.constant 0 : index
    %get3A_0 = arith.constant 0 : index
    %get3A_1 = arith.constant 0 : index
    %get3A_2 = arith.constant 0 : index
    %get3A_3 = arith.constant 0 : index
    %get3A_4 = vector.load %arg3[%get3A, %get3A_0, %get3A_1, %get3A_2, %get3A_3] : memref<1x8x1x16x512xf32, #tpu.memory_space<vmem>>, vector<1x8x1x16x512xf32>
    %get3A_5 = vector.shape_cast %get3A_4 : vector<1x8x1x16x512xf32> to vector<8x16x512xf32>
    %reshape3A = vector.shape_cast %get3A_5 : vector<8x16x512xf32> to vector<128x512xf32>
    %get3A_6 = arith.constant 0 : index
    %get3A_7 = arith.constant 0 : index
    %get3A_8 = arith.constant 0 : index
    %get3A_9 = arith.constant 0 : index
    %get3A_10 = arith.constant 0 : index
    %get3A_11 = vector.load %arg4[%get3A_6, %get3A_7, %get3A_8, %get3A_9, %get3A_10] : memref<1x8x1x16x512xf32, #tpu.memory_space<vmem>>, vector<1x8x1x16x512xf32>
    %get3A_12 = vector.shape_cast %get3A_11 : vector<1x8x1x16x512xf32> to vector<8x16x512xf32>
    %reshape3A_13 = vector.shape_cast %get3A_12 : vector<8x16x512xf32> to vector<128x512xf32>
    %gt3A = arith.constant 9.99999997E-7 : f32
    %gt3A_14 = vector.broadcast %gt3A : f32 to vector<128x512xf32>
    %gt3A_15 = arith.cmpf ogt, %reshape3A_13, %gt3A_14 : vector<128x512xf32>
    %max3A = arith.constant 9.99999997E-7 : f32
    %max3A_16 = vector.broadcast %max3A : f32 to vector<128x512xf32>
    %max3A_17 = arith.maximumf %reshape3A_13, %max3A_16 : vector<128x512xf32>
    %div3A = arith.divf %reshape3A, %max3A_17 : vector<128x512xf32>
    %broadcast_in_dim3A = arith.constant -1.000000e+01 : f32
    %broadcast_in_dim3A_18 = vector.broadcast %broadcast_in_dim3A : f32 to vector<128x512xf32>
    %select_n3A = arith.select %gt3A_15, %div3A, %broadcast_in_dim3A_18 : vector<128x512xi1>, vector<128x512xf32>
    %swap3A = arith.constant 0 : index
    %swap3A_19 = arith.constant 0 : index
    %swap3A_20 = arith.constant 0 : index
    %swap3A_21 = arith.constant 0 : index
    %swap3A_22 = vector.load %arg5[%swap3A, %swap3A_19, %swap3A_20, %swap3A_21] : memref<1x1x128x512xf32, #tpu.memory_space<vmem>>, vector<1x1x128x512xf32>
    %swap3A_23 = vector.shape_cast %swap3A_22 : vector<1x1x128x512xf32> to vector<128x512xf32>
    %swap3A_24 = vector.shape_cast %select_n3A : vector<128x512xf32> to vector<1x1x128x512xf32>
    tpu.vector_store %arg5[%swap3A, %swap3A_19, %swap3A_20, %swap3A_21], %swap3A_24 {strides = array<i32>} : memref<1x1x128x512xf32, #tpu.memory_space<vmem>>, vector<1x1x128x512xf32>,
    return
  }
  func.func @transform_0(%arg0: i32, %arg1: i32, %arg2: i32) -> (i32, i32, i32, i32, i32) {
    %c0_i32 = arith.constant 0 : i32
    %c0_i32_0 = arith.constant 0 : i32
    %c0_i32_1 = arith.constant 0 : i32
    return %arg0, %arg2, %arg1, %c0_i32, %c0_i32_0 : i32, i32, i32, i32, i32
  }
  func.func @transform_1(%arg0: i32, %arg1: i32, %arg2: i32) -> (i32, i32, i32, i32, i32) {
    %c0_i32 = arith.constant 0 : i32
    %c0_i32_0 = arith.constant 0 : i32
    %c0_i32_1 = arith.constant 0 : i32
    %c0_i32_2 = arith.constant 0 : i32
    return %arg0, %arg2, %c0_i32, %c0_i32_0, %c0_i32_1 : i32, i32, i32, i32, i32
  }
  func.func @transform_2(%arg0: i32, %arg1: i32, %arg2: i32) -> (i32, i32, i32, i32) {
    %c0_i32 = arith.constant 0 : i32
    %c0_i32_0 = arith.constant 0 : i32
    return %arg0, %arg1, %arg2, %c0_i32 : i32, i32, i32, i32
  }
}

</mosaic_0001>

<sc_bundles>
// kernel: kernel.4.cloned.1.call-start
scs
__scs_entry_jumppad:
0x0: {  	(pc) =	sbr.rel $0x88, $3  }
0x1: {  	(tag) =	ssettag $0x0;
	lr =	simm.s32 $0x1  }
0x2: {  	[smem:$0x3F9F] =	sst lr;
	_ =	strace $0xD0000000  }
0x3: {  	_ = 	snop  }
0x4: {  	_ = 	snop  }
0x5: {  	_ = 	snop  }
0x6: {  	_ = 	snop  }
0x7: {  	_ = 	snop  }
__scs_overlays_trampoline_lowered:
0x8: {  	[smem:$0x3FAE] =	sst s0  }
0x9: {  	[smem:$0x3FAF] =	sst s1  }
0xa: {  	[smem:$0x3FB0] =	sst s2  }
0xb: {  	[smem:$0x3FB1] =	sst s3  }
0xc: {  	[smem:$0x3FB2] =	sst s4  }
0xd: {  	[smem:$0x3FB3] =	sst s5  }
0xe: {  	[smem:$0x3FB4] =	sst s6  }
0xf: {  	[smem:$0x3FB5] =	sst s7  }
0x10: {  	[smem:$0x3FB6] =	sst s8  }
0x11: {  	[smem:$0x3FB7] =	sst s9;
	s0 =	simm.s32 @!p0 $0x0  }
0x12: {  	s1 =	sld [smem:$0x3F9D];
	s0 =	simm.s32 @p0 $0x1  }
0x13: {  	[smem:$0x3FB8] =	sst s0;
	s0 =	simm.s32 @!p1 $0x0  }
0x14: {  	s2 =	sld [smem:$0x3F9C];
	s0 =	simm.s32 @p1 $0x1  }
0x15: {  	[smem:$0x3FB9] =	sst s0;
	s0 =	simm.s32 @!p2 $0x0  }
0x16: {  	s3 =	sld [smem:$0x3FDB];
	s0 =	simm.s32 @p2 $0x1  }
0x17: {  	s4 =	simm.s32 $0x1BF5;
	[smem:$0x3FBB] =	sst s0  }
0x18: {  	s0 =	sld [smem:$0x3F9E];
	_ =	swait.ge [sflag:s4], $0x0  }
0x19: {  	s7 =	sld [smem:$0x3F9F]  }
0x1a: {  	s8 =	sadd.s32 $0xFFFFE003, lr  }
0x1b: {  	s9 =	sadd.s32 $0xFFFFFEF7, lr;
	s5 =	simm.s32 $0xFFFFFFFF;
	p2 =	slt.u32 s8, $0xFFFFF086  }
0x1c: {  	p1 =	slt.u32 s9, $0xF7A;
	s5 =	simm.s32 @!p2 $0x0  }
0x1d: {  	s5 =	simm.s32 @p1 $0x1;
	p0 =	seq.s32 s7, s2  }
0x1e: {  	s7 =	smul.u32 @!p0 $0xF7A, s2;
	p2 =	seq.s32 @!p0 s5, $0x0  }
0x1f: {  	s9 =	smul.u32 $0xF7A, s1;
	s8 =	simm.s32 @!p0 $0x1BF5;
	p2 =	por !p2, p0  }
0x20: {  	[sflag:s8] =	ssyncset.s32 @!p0 $0xFFFFF086;
	s6 =	sadd.s32 @!p0 s3, s7;
	s7 =	simm.s32 @!p0 $0x108  }
0x21: {  	s3 =	sadd.s32 s3, s9;
	s6 =	sadd.s32 @!p0 $0x88, s6;
	s7 =	simm.s32 @p2 $0x1082  }
0x22: {  	[simem:s7], [sflag:s8] =	dma.local @!p0 [hbm:s6], $0xF7A  }
0x23: {  	s9 =	sor.u32 $0xD0000000, s2;
	s6 =	simm.s32 $0x108;
	_ =	swait.ge @!p0 [sflag:s8], $0x0  }
0x24: {  	s3 =	sadd.s32 $0x88, s3;
	s6 =	simm.s32 @!p1 $0x1082;
	[sflag:s4] =	ssyncset.s32 $0xFFFFF086  }
0x25: {  	[simem:s6], [sflag:s4] =	dma.local [hbm:s3], $0xF7A  }
0x26: {  	[smem:$0x3F9F] =	sst s1;
	(tag) =	ssettag s2;
	_ =	strace s9  }
0x27: {  	s1 =	sld [smem:$0x3FAF]  }
0x28: {  	s2 =	sld [smem:$0x3FB0]  }
0x29: {  	s4 =	sld [smem:$0x3FB2]  }
0x2a: {  	p0 =	seq.s32 s5, $0x0;
	s5 =	sld [smem:$0x3FB3]  }
0x2b: {  	s6 =	sld [smem:$0x3FB4]  }
0x2c: {  	s7 =	sld [smem:$0x3FB5]  }
0x2d: {  	s3 =	simm.s32 $0x108;
	s8 =	sld [smem:$0x3FB6]  }
0x2e: {  	s3 =	simm.s32 @!p0 $0x1082;
	s9 =	sld [smem:$0x3FB7]  }
0x2f: {  	lr =	sadd.s32 s0, s3;
	s0 =	sld [smem:$0x3FAE]  }
0x30: {  	s3 =	sld [smem:$0x3FB1]  }
0x31: {  	[smem:$0x3FBA] =	sst s10  }
0x32: {  	s10 =	sld [smem:$0x3FB8];
	_ =	sdelay $0x3  }
0x33: {  	p0 =	seq.s32 s10, $0x1;
	s10 =	sld [smem:$0x3FBA];
	_ =	sdelay $0x3  }
0x34: {  	[smem:$0x3FBA] =	sst s10  }
0x35: {  	s10 =	sld [smem:$0x3FB9];
	_ =	sdelay $0x3  }
0x36: {  	p1 =	seq.s32 s10, $0x1;
	s10 =	sld [smem:$0x3FBA];
	_ =	sdelay $0x3  }
0x37: {  	[smem:$0x3FBA] =	sst s10  }
0x38: {  	s10 =	sld [smem:$0x3FBB]  }
0x39: {  	_ = 	snop;
	(pc) =	sbr.ind lr, $3  }
0x3a: {  	_ = 	snop  }
0x3b: {  	_ = 	snop  }
0x3c: {  	p2 =	seq.s32 s10, $0x1;
	s10 =	sld [smem:$0x3FBA]  }
0x3d: {  	_ =	shalt  }
0x3e: {  	_ =	shalt  }
0x3f: {  	_ =	shalt  }
0x40: {  	_ =	shalt  }
0x41: {  	_ =	shalt  }
0x42: {  	_ =	shalt  }
0x43: {  	_ =	shalt  }
0x44: {  	_ =	shalt  }
0x45: {  	_ =	shalt  }
0x46: {  	_ =	shalt  }
0x47: {  	_ =	shalt  }
0x48: {  	_ =	shalt  }
0x49: {  	_ =	shalt  }
0x4a: {  	_ =	shalt  }
0x4b: {  	_ =	shalt  }
0x4c: {  	_ =	shalt  }
0x4d: {  	_ =	shalt  }
0x4e: {  	_ =	shalt  }
0x4f: {  	_ =	shalt  }
0x50: {  	_ =	shalt  }
0x51: {  	_ =	shalt  }
0x52: {  	_ =	shalt  }
0x53: {  	_ =	shalt  }
0x54: {  	_ =	shalt  }
0x55: {  	_ =	shalt  }
0x56: {  	_ =	shalt  }
0x57: {  	_ =	shalt  }
0x58: {  	_ =	shalt  }
0x59: {  	_ =	shalt  }
0x5a: {  	_ =	shalt  }
0x5b: {  	_ =	shalt  }
0x5c: {  	_ =	shalt  }
0x5d: {  	_ =	shalt  }
0x5e: {  	_ =	shalt  }
0x5f: {  	_ =	shalt  }
0x60: {  	_ =	shalt  }
0x61: {  	_ =	shalt  }
0x62: {  	_ =	shalt  }
0x63: {  	_ =	shalt  }
0x64: {  	_ =	shalt  }
0x65: {  	_ =	shalt  }
0x66: {  	_ =	shalt  }
0x67: {  	_ =	shalt  }
0x68: {  	_ =	shalt  }
0x69: {  	_ =	shalt  }
0x6a: {  	_ =	shalt  }
0x6b: {  	_ =	shalt  }
0x6c: {  	_ =	shalt  }
0x6d: {  	_ =	shalt  }
0x6e: {  	_ =	shalt  }
0x6f: {  	_ =	shalt  }
0x70: {  	_ =	shalt  }
0x71: {  	_ =	shalt  }
0x72: {  	_ =	shalt  }
0x73: {  	_ =	shalt  }
0x74: {  	_ =	shalt  }
0x75: {  	_ =	shalt  }
0x76: {  	_ =	shalt  }
0x77: {  	_ =	shalt  }
0x78: {  	_ =	shalt  }
0x79: {  	_ =	shalt  }
0x7a: {  	_ =	shalt  }
0x7b: {  	_ =	shalt  }
0x7c: {  	_ =	shalt  }
0x7d: {  	_ =	shalt  }
0x7e: {  	_ =	shalt  }
0x7f: {  	_ =	shalt  }
0x80: {  	_ =	shalt  }
0x81: {  	_ =	shalt  }
0x82: {  	_ =	shalt  }
0x83: {  	_ =	shalt  }
0x84: {  	_ =	shalt  }
0x85: {  	_ =	shalt  }
0x86: {  	_ =	shalt  }
0x87: {  	_ =	shalt  }
.Lfunc_end0:
.L_simem_size_0:
called_computation.1_lowered:
.L_overlay_start_0:
0x88: {  	s2 =	sld [smem:$0x3FD9]  }
0x89: {  	s3 =	sld [smem:$0x3FFE];
	_ =	sdelay $0x1  }
0x8a: {  	s1 =	srdreg.scid  }
0x8b: {  	s0 =	sand.u32 $0x1, s1  }
0x8c: {  	s17 =	sshll.u32 s0, $0xA;
	s2 =	sadd.s32 s3, s2  }
0x8d: {  	s2 =	sadd.s32 s2, s17  }
0x8e: {  	[smem:$0x3FC6] =	sst s2  }
0x8f: {  	_ = 	snop  }
0x90: {  	s2 =	sld [smem:$0x3FD0];
	(tm) =	ssettm $0x1  }
0x91: {  	s18 =	sld [smem:$0x3FFB];
	_ =	sdelay $0x3  }
0x92: {  	_ =	strace s18  }
0x93: {  	s3 =	sld [smem:$0x3FFC];
	_ =	sdelay $0x3  }
0x94: {  	_ =	strace s3  }
0x95: {  	s3 =	sld [smem:$0x3FFD];
	_ =	sdelay $0x3  }
0x96: {  	_ =	strace s3  }
0x97: {  	_ =	strace $0x8FFFFFFF  }
0x98: {  	s19 =	sld [smem:$0x3FDB];
	_ =	sdelay $0x1  }
0x99: {  	s4 =	simm.s32 $_scs_section_size  }
0x9a: {  	s5 =	simm.s32 $_size__tile_overlayer_lowered;
	s6 =	simm.s32 $_tile_overlayer_lowered  }
0x9b: {  	s22 =	simm.s32 $0x1BFF;
	s21 =	sshll.u32 s6, $0x1;
	s3 =	sadd.s32 s4, s19  }
0x9c: {  	s7 =	simm.s32 $0x0;
	s20 =	sshll.u32 s5, $0x1;
	s5 =	sadd.s32 s21, s3  }
0x9d: {  	[timem:s7], [sflag:s22] =	dma.local [hbm:s5], s20  }
0x9e: {  	_ =	swait.ge [sflag:s22], s20  }
0x9f: {  	s4 =	ssub.s32 $0x0, s20;
	[sflag:s22] =	ssyncset.done $0x0  }
0xa0: {  	[sflag:s22] =	ssyncadd.s32 s4;
	_ =	sdelay $0x1  }
0xa1: {  	s23 =	simm.s32 $0x1B8B  }
0xa2: {  	_ =	swait.ge [sflag:s23], $0x1  }
0xa3: {  	[sflag:s23] =	ssyncset.done $0x0  }
0xa4: {  	s25 =	simm.s32 $0x1B8E;
	s24 =	sld [smem:$0x3FFE];
	[sflag:s23] =	ssyncadd.s32 $0xFFFFFFFF  }
0xa5: {  	s26 =	simm.s32 $execute0_lowered;
	[smem:$0x3FD2] =	sst s25  }
0xa6: {  	s5 =	sshll.u32 s26, $0x1;
	_ =	strace $0x80000049;
	[dreg:$0x1] =	wrdreg $0xFFFFFFFF  }
0xa7: {  	s28 =	simm.s32 $_size_execute0_lowered;
	s3 =	sadd.s32 s3, s5;
	[dreg:$0x0] =	wrdreg $0x0  }
0xa8: {  	s5 =	sshll.u32 s28, $0x1;
	[dreg:$0x2] =	wrdreg s3  }
0xa9: {  	[dreg:$0x3] =	wrdreg s5  }
0xaa: {  	[dreg:$0x4] =	wrdreg $0xC0  }
0xab: {  	_ =	task [dreg:s7], $0x5FFFF  }
0xac: {  	[dreg:$0x1] =	wrdreg $0xFFFFFFFF  }
0xad: {  	[dreg:$0x0] =	wrdreg $0x60  }
0xae: {  	[dreg:$0x2] =	wrdreg s2  }
0xaf: {  	[dreg:$0x3] =	wrdreg s24  }
0xb0: {  	[dreg:$0x4] =	wrdreg $0x9  }
0xb1: {  	_ =	task.clear_ibuf [dreg:s7], $0x5FFFF;
	_ =	strace $0x90000049  }
0xb2: {  	s29 =	simm.s32 $0x9;
	_ =	strace $0x8000004B  }
0xb3: {  	_ =	swait.ge [sflag:s29], $0x1  }
0xb4: {  	[sflag:s29] =	ssyncadd.s32 $0xFFFFFFFF  }
0xb5: {  	_ =	strace $0x9000004B  }
0xb6: {  	_ =	sfence  }
0xb7: {  	s30 =	sld [smem:$0x0];
	_ =	sdelay $0x2  }
0xb8: {  	s31 =	sshll.u32 s1, $0xD;
	s1 =	sshrl.u32 s1, $0x2  }
0xb9: {  	s3 =	sand.u32 $0x4000, s31;
	s1 =	sadd.s32 s1, s30  }
0xba: {  	s0 =	sor.u32 s3, s0;
	s1 =	sshll.u32 s1, $0x11  }
0xbb: {  	s0 =	sor.u32 s1, s0  }
0xbc: {  	s0 =	sadd.s32 $0x8F2B, s0  }
0xbd: {  	[sflag:s0] =	ssyncadd.remote.s32 $0x1  }
0xbe: {  	_ =	sfence.sel $0xFFFF  }
0xbf: {  	[dreg:$0x0] =	wrdreg $0xFFFFFFFF;
	(pc) =	sbr.abs _section_cstart, $3  }
0xc0: {  	[dreg:$0x1] =	wrdreg $0xFFFFFFFF  }
0xc1: {  	_ =	task.clear_ibuf [dreg:s7], $0x2FFFF;
	_ =	strace $0x9FFFFFFF  }
0xc2: {  	(tm) =	ssettm $0x7FFFFFFF  }
0xc3: {  	_ =	shalt  }
tec
execute0_lowered:
.L_overlay_start_1:
0x0: {  	(tag) =	ssettag $0x1  }
0x1: {  	s6 =	rddreg [dreg:$0x0]  }
0x2: {  	s0 =	rddreg [dreg:$0x1]  }
0x3: {  	s1 =	simm.s32 $0x0;
	s5 =	stileid.u32;
	s2 =	srdreg.scid  }
0x4: {  	s28 =	simm.s32 $0x1;
	[smem:$0x7FF] =	sst s1;
	s19 =	sshrl.u32 s5, $0x1  }
0x5: {  	v0 =	vimm.s32 $0xEDCBA987;
	s2 =	sand.u32 $0x1, s2;
	s4 =	sadd.s32 $0x1200, s0;
	s23 =	sshll.u32 s5, $0x4  }
0x6: {  	v1 =	vimm.s32 $0x65432100;
	v4 =	vimm.s32 $0xDCBA9876;
	s25 =	sadd.s32 $0x100, s6;
	s26 =	sadd.s32 $0x200, s6;
	s29 =	sadd.s32 $0x300, s6  }
0x7: {  	v7 =	vimm.s32 $0xE40000;
	v8 =	vimm.s32 $0x32100000;
	v0 =	vunpack.c.l.s4.s8 v0;
	s30 =	sand.u32 $0x1, s5;
	s14 =	sadd.s32 $0x400, s6;
	s15 =	sadd.s32 $0x500, s6  }
0x8: {  	vm0 =	vmmov $0x3;
	vm2 =	vcmask $0x3F30;
	v2 =	vunpack.c.l.s4.s8 v1;
	s16 =	sadd.s32 $0x600, s6;
	_ =	strace $0x8000004A;
	[dreg:$0x3] =	wrdreg s4  }
0x9: {  	vm1 =	vmmov $0xf;
	v4 =	vunpack.c.l.s4.s8 v4;
	s18 =	sadd.s32 $0x700, s6;
	s3 =	sshll.u32 s19, $0x7;
	[dreg:$0xa] =	wrdreg s25;
	v3 =	vunpack.c.0.s8.s32 v0  }
0xa: {  	vm3 =	vmmov $0xffff;
	s20 =	ssub.s32 $0x2, s2;
	s7 =	sshll.u32 s19, $0xA;
	[dreg:$0xb] =	wrdreg s26;
	v5 =	vunpack.c.0.s8.s32 v2;
	v2 =	vimm.s32 $0x54321000  }
0xb: {  	s24 =	sshll.u32 s2, $0x3;
	s4 =	sand.u32 $0x10, s23;
	[dreg:$0xc] =	wrdreg s29;
	v4 =	vunpack.c.0.s8.s32 v4;
	v6 =	vunpack.c.l.s4.s8 v2;
	v3 =	vand.u32 $0xF, v3  }
0xc: {  	v1 =	vimm.f32 $0.0e+00;
	s1 =	sshll.u32 s19, $0x5;
	s2 =	sshll.u32 s2, $0x7;
	[dreg:$0x5] =	wrdreg s7;
	v3 =	vcombine.low v5, v3;
	v5 =	vunpack.c.l.s2.s4 v7  }
0xd: {  	s3 =	sadd.s32 s3, s0;
	s0 =	sadd.s32 $0x201A00, s0;
	[dreg:$0x9] =	wrdreg s1;
	v6 =	vunpack.c.0.s8.s32 v6;
	v7 =	vand.u32 $0xF, v4;
	v4 =	vimm.s32 $0xBA987654  }
0xe: {  	s21 =	sshrl.u32 s20, $0x1;
	v0 =	vmov s7;
	[dreg:$0x4] =	wrdreg s0;
	s22 =	sadd.s32 $0x201600, s3;
	v9 =	vunpack.c.l.s4.s8 v4;
	v10 =	vunpack.c.l.s4.s8 v5  }
0xf: {  	s1 =	sshll.u32 s30, $0x8;
	s3 =	sadd.s32 $0x201200, s3;
	v2 =	vimm.s32 $0x0;
	[dreg:$0x6] =	wrdreg s22;
	v5 =	vcombine.low v6, v7;
	v6 =	vunpack.c.l.s4.s8 v8  }
.Ltmp0:
0x10: {  	s1 =	sor.u32 s1, s2;
	[dreg:$0x7] =	wrdreg s3;
	v8 =	vimm.s32 $0x7060504;
	v7 =	vunpack.c.0.s8.s32 v9;
	v9 =	vunpack.c.0.s8.s32 v10;
	(pc) =	sbr.rel .LBB2_1-.Ltmp0, $4  }
0x11: {  	s0 =	ssub.s32 s20, s21;
	s3 =	sor.u32 s24, s4;
	[dreg:$0xd] =	wrdreg s1;
	v4 =	vlaneseq.u32;
	v8 =	vunpack.c.0.s8.s32 v8;
	v6 =	vunpack.c.0.s8.s32 v6  }
0x12: {  	s25 =	simm.s32 $0x1AD80;
	s0 =	smax.u32 s0, $0x1;
	[dreg:$0x8] =	wrdreg s3;
	v10 =	vimm.f32 $1.000000000e+00;
	v7 =	vand.u32 $0xF, v7;
	v9 =	vand.u32 $0x3, v9  }
0x13: {  	s26 =	simm.s32 $0x1B200;
	s31 =	ssub.s32 $0x0, s1;
	[dreg:$0xe] =	wrdreg s0;
	v6 =	vcombine.low v6, v7;
	v7 =	vsel vm2, v8, v9;
	v9 =	vshrl.u32 v4, $0x3  }
0x14: {  	s24 =	simm.s32 $0x1A900;
	s1 =	simm.s32 $0x0;
	[dreg:$0xf] =	wrdreg s31;
	vm2 =	vmmov $0xff;
	v8 =	vand.u32 $0x7, v4;
	v9 =	vmul.u32 $0x8, v9  }
.LBB2_27:
0x15: {  	s1 =	rddreg [dreg:$0x10]  }
0x16: {  	s0 =	rddreg [dreg:$0xe];
	s1 =	sadd.s32 $0x1, s1  }
0x17: {  	p0 =	sne.s32 s1, s0  }
.Ltmp1:
0x18: {  	_ = 	snop;
	(pc) =	sbr.rel @!p0 .LBB2_28-.Ltmp1, $1  }
0x19: {  	_ =	sdelay $0x3  }
.LBB2_1:
0x1a: {  	[dreg:$0x10] =	wrdreg s1;
	s0 =	simm.s32 $0x0  }
0x1b: {  	s29 =	rddreg [dreg:$0x6];
	s2 =	simm.s32 $0x1A000;
	s30 =	simm.s32 $0x3  }
0x1c: {  	[tilespmem:s2], [sflag:$0x3] =	stream.linear.gather [hbm4b:s29+s0], $0x400, $0x38;
	[tilespmem:$0x1B680] =	vst v63  }
0x1d: {  	_ =	swait.ge [sflag:s30], $0x400  }
0x1e: {  	[sflag:s30] =	ssyncset.done $0x0  }
0x1f: {  	s3 =	simm.s32 $0x1A480;
	s31 =	rddreg [dreg:$0x7];
	[sflag:s30] =	ssyncadd.s32 $0xFFFFFC00  }
0x20: {  	[tilespmem:s3], [sflag:$0x3] =	stream.linear.gather [hbm4b:s31+s0], $0x400, $0x38;
	[tilespmem:$0x1B680] =	vst v63  }
0x21: {  	_ =	swait.ge [sflag:s30], $0x400  }
0x22: {  	[sflag:s30] =	ssyncset.done $0x0  }
0x23: {  	s1 =	simm.s32 $0x0;
	s0 =	simm.s32 $0x40;
	[sflag:s30] =	ssyncadd.s32 $0xFFFFFC00  }
.LBB2_2:
0x24: {  	p0 =	sne.s32 s0, $0x1000;
	[tilespmem:s1+$0x1A900] =	vst v0;
	s1 =	smov.u32 s0;
	s0 =	sadd.s32 $0x40, s0  }
.Ltmp2:
0x25: {  	(pc) =	sbr.rel @p0 .LBB2_2-.Ltmp2, $2  }
0x26: {  	_ =	sdelay $0x2  }
0x27: {  	s1 =	sshra.s32 s1, $0x2  }
.Ltmp3:
0x28: {  	(pc) =	sbr.rel .LBB2_4-.Ltmp3, $3  }
0x29: {  	_ =	sdelay $0x1  }
0x2a: {  	s20 =	rddreg [dreg:$0xf]  }
0x2b: {  	[tilespmem:s1+$0x1A900] =	vst v0;
	s2 =	simm.s32 $0x0;
	s29 =	rddreg [dreg:$0xd]  }
.LBB2_26:
0x2c: {  	s0 =	rddreg [dreg:$0x9]  }
0x2d: {  	s1 =	rddreg [dreg:$0x12]  }
0x2e: {  	s0 =	sadd.s32 s0, s1  }
0x2f: {  	s1 =	sshll.u32 s0, $0xD  }
0x30: {  	s2 =	rddreg [dreg:$0x3];
	s1 =	sand.u32 $0x1FFFE000, s1  }
0x31: {  	s22 =	simm.s32 $0x0;
	s3 =	simm.s32 $0x3;
	s1 =	sadd.s32 s2, s1  }
0x32: {  	[hbm4b:s1+s22] =	stream.linear.scatter [tilespmem:s22], [sflag:$0x3], $0x10000, $0x38;
	[tilespmem:$0x1B680] =	vst v63  }
0x33: {  	s0 =	sshll.u32 s0, $0xA;
	_ =	swait.ge [sflag:s3], $0x10000  }
0x34: {  	s0 =	sand.u32 $0x1FFFFC00, s0;
	[sflag:s3] =	ssyncset.done $0x0;
	s23 =	rddreg [dreg:$0x4]  }
0x35: {  	s30 =	simm.s32 $0x10000;
	[sflag:s3] =	ssyncadd.s32 $0xFFFF0000;
	s0 =	sadd.s32 s23, s0  }
0x36: {  	[hbm4b:s0+s22] =	stream.linear.scatter [tilespmem:s30], [sflag:$0x3], $0x2000, $0x38;
	[tilespmem:$0x1B680] =	vst v63  }
0x37: {  	_ =	swait.ge [sflag:s3], $0x2000  }
0x38: {  	s31 =	rddreg [dreg:$0x11]  }
0x39: {  	s2 =	sadd.s32 $0x1, s31  }
0x3a: {  	p0 =	sne.s32 s2, $0x8  }
.Ltmp4:
0x3b: {  	_ = 	snop;
	(pc) =	sbr.rel @!p0 .LBB2_27-.Ltmp4, $3  }
0x3c: {  	_ =	sdelay $0x1  }
0x3d: {  	[sflag:s3] =	ssyncset.done $0x0  }
0x3e: {  	s29 =	sadd.s32 $0x10, s29;
	s20 =	sadd.s32 $0xFFFFFFF0, s20;
	[sflag:s3] =	ssyncadd.s32 $0xFFFFE000  }
.LBB2_4:
0x3f: {  	p0 =	por $0x0, $0x0  }
.Ltmp5:
0x40: {  	_ = 	snop;
	(pc) =	sbr.rel @p0 .LBB2_6-.Ltmp5, $2  }
0x41: {  	_ =	sdelay $0x2  }
0x42: {  	s0 =	simm.s32 $0x0;
	s1 =	simm.s32 $0x200  }
.LBB2_5:
0x43: {  	p0 =	seq.s32 s1, $0x3FE00;
	[tilespmem:s0+$0x70] =	vst v1  }
0x44: {  	[tilespmem:s0+$0x0] =	vst v1  }
0x45: {  	[tilespmem:s0+$0x10] =	vst v1  }
.Ltmp6:
0x46: {  	[tilespmem:s0+$0x20] =	vst v1;
	(pc) =	sbr.rel @!p0 .LBB2_5-.Ltmp6, $4  }
0x47: {  	[tilespmem:s0+$0x30] =	vst v1  }
0x48: {  	[tilespmem:s0+$0x40] =	vst v1  }
0x49: {  	[tilespmem:s0+$0x50] =	vst v1  }
0x4a: {  	[tilespmem:s0+$0x60] =	vst v1;
	s0 =	sshra.s32 s1, $0x2;
	s1 =	sadd.s32 $0x200, s1  }
.LBB2_6:
0x4b: {  	[tilespmem:s0+$0x70] =	vst v1  }
0x4c: {  	[tilespmem:s0+$0x0] =	vst v1  }
0x4d: {  	[tilespmem:s0+$0x10] =	vst v1  }
0x4e: {  	[tilespmem:s0+$0x20] =	vst v1  }
0x4f: {  	[tilespmem:s0+$0x30] =	vst v1  }
0x50: {  	[tilespmem:s0+$0x40] =	vst v1  }
0x51: {  	[tilespmem:s0+$0x50] =	vst v1  }
0x52: {  	[tilespmem:s0+$0x60] =	vst v1;
	s0 =	simm.s32 $0x0;
	s1 =	simm.s32 $0x200  }
.LBB2_7:
0x53: {  	p0 =	seq.s32 s1, $0x7E00;
	[tilespmem:s0+$0x10070] =	vst v1  }
0x54: {  	[tilespmem:s0+$0x10000] =	vst v1  }
0x55: {  	[tilespmem:s0+$0x10010] =	vst v1  }
.Ltmp7:
0x56: {  	[tilespmem:s0+$0x10020] =	vst v1;
	(pc) =	sbr.rel @!p0 .LBB2_7-.Ltmp7, $4  }
0x57: {  	[tilespmem:s0+$0x10030] =	vst v1  }
0x58: {  	[tilespmem:s0+$0x10040] =	vst v1  }
0x59: {  	[tilespmem:s0+$0x10050] =	vst v1  }
0x5a: {  	[tilespmem:s0+$0x10060] =	vst v1;
	s0 =	sshra.s32 s1, $0x2;
	s1 =	sadd.s32 $0x200, s1  }
0x5b: {  	[tilespmem:s0+$0x10070] =	vst v1  }
0x5c: {  	[tilespmem:s0+$0x10000] =	vst v1  }
0x5d: {  	[tilespmem:s0+$0x10010] =	vst v1  }
0x5e: {  	[tilespmem:s0+$0x10020] =	vst v1  }
0x5f: {  	[tilespmem:s0+$0x10030] =	vst v1  }
0x60: {  	[tilespmem:s0+$0x10040] =	vst v1  }
0x61: {  	[tilespmem:s0+$0x10050] =	vst v1  }
0x62: {  	[tilespmem:s0+$0x10060] =	vst v1;
	s30 =	simm.s32 $0x0  }
0x63: {  	s22 =	rddreg [dreg:$0x8];
	v13 =	vld [tilespmem:s30+$0x1A000]  }
0x64: {  	s1 =	sadd.s32 s22, s2  }
0x65: {  	s31 =	sshll.u32 s1, $0x4  }
0x66: {  	[dreg:$0x12] =	wrdreg s1;
	s1 =	sshllo.u32 s1, $0x4;
	s23 =	sadd.s32 $0xFFFFFFF1, s31  }
0x67: {  	v12 =	vmov s1;
	v11 =	vmov s23  }
0x68: {  	vm4 =	vge.s32 v13, v11;
	vm5 =	vle.s32 v13, v12  }
0x69: {  	vm5 =	vmand vm4, vm5  }
0x6a: {  	v14 =	vsel vm5, $0x1, v2  }
0x6b: {  	v15 =	vperm.xlane v14, v3  }
0x6c: {  	vm4 =	veq.s32 v4, $0x0  }
0x6d: {  	v15 =	vsel vm4, $0x0, v15  }
0x6e: {  	v14 =	vadd.s32 v14, v15  }
0x6f: {  	v15 =	vperm.xlane v14, v5;
	_ =	sdelay $0x1  }
0x70: {  	v15 =	vsel vm0, $0x0, v15  }
0x71: {  	v14 =	vadd.s32 v15, v14  }
0x72: {  	v15 =	vperm.xlane v14, v6;
	_ =	sdelay $0x1  }
0x73: {  	v15 =	vsel vm1, $0x0, v15  }
0x74: {  	s0 =	simm.s32 $0x0;
	v14 =	vadd.s32 v15, v14  }
0x75: {  	v15 =	vmov s0;
	v16 =	vperm.xlane v14, v7  }
0x76: {  	v15 =	vadd.s32 $0xFFFFFFFF, v15  }
0x77: {  	v15 =	vbroadcast v15, $0x0;
	v16 =	vsel vm2, $0x0, v16  }
0x78: {  	v14 =	vadd.s32 v16, v14  }
0x79: {  	v15 =	vadd.s32 v14, v15;
	(v2sf) =	vpush v14, $0xF;
	_ =	sdelay $0x1  }
0x7a: {  	v63 =	vld [tilespmem:s30+$0x1A480]  }
0x7b: {  	s1 =	rddreg [dreg:$0x5]  }
0x7c: {  	v17 =	vor.u32 s1, v4  }
0x7d: {  	[tilespmem:v15+s24+$0x0] =	vst.idx.msk vm5, v17  }
0x7e: {  	[tilespmem:v15+s25+$0x0] =	vst.idx.msk vm5, v13  }
0x7f: {  	[dreg:$0x11] =	wrdreg s2;
	s3 =	simm.s32 $0x10;
	s2 =	simm.s32 $0x80;
	[tilespmem:v15+s26+$0x0] =	vst.idx.msk vm5, v63  }
.LBB2_9:
0x80: {  	p0 =	sne.s32 s2, $0xFC0;
	v13 =	vld [tilespmem:s3+$0x1A000]  }
0x81: {  	v14 =	vld [tilespmem:s3+$0x1A480];
	_ =	sdelay $0x3  }
0x82: {  	vm5 =	vge.s32 v13, v11;
	vm6 =	vle.s32 v13, v12  }
0x83: {  	vm5 =	vmand vm5, vm6  }
0x84: {  	v15 =	vsel vm5, $0x1, v2;
	s3 =	spop (v2sf)  }
0x85: {  	v16 =	vperm.xlane v15, v3;
	s0 =	sadd.s32 s0, s3  }
0x86: {  	v17 =	vmov s0  }
0x87: {  	v16 =	vsel vm4, $0x0, v16;
	v17 =	vadd.s32 $0xFFFFFFFF, v17  }
0x88: {  	v15 =	vadd.s32 v15, v16;
	v16 =	vbroadcast v17, $0x0  }
0x89: {  	v17 =	vperm.xlane v15, v5;
	_ =	sdelay $0x1  }
0x8a: {  	v17 =	vsel vm0, $0x0, v17  }
0x8b: {  	v15 =	vadd.s32 v17, v15  }
0x8c: {  	v17 =	vperm.xlane v15, v6;
	_ =	sdelay $0x1  }
0x8d: {  	v17 =	vsel vm1, $0x0, v17  }
0x8e: {  	v15 =	vadd.s32 v17, v15  }
0x8f: {  	v17 =	vperm.xlane v15, v7;
	_ =	sdelay $0x1  }
0x90: {  	v17 =	vsel vm2, $0x0, v17  }
0x91: {  	v15 =	vadd.s32 v17, v15  }
0x92: {  	v16 =	vadd.s32 v15, v16;
	(v2sf) =	vpush v15, $0xF;
	_ =	sdelay $0x2  }
.Ltmp8:
0x93: {  	s1 =	sadd.s32 $0x10, s1;
	(pc) =	sbr.rel @p0 .LBB2_9-.Ltmp8, $4  }
0x94: {  	v15 =	vor.u32 s1, v4  }
0x95: {  	[tilespmem:v16+s24+$0x0] =	vst.idx.msk vm5, v15  }
0x96: {  	[tilespmem:v16+s25+$0x0] =	vst.idx.msk vm5, v13  }
0x97: {  	s3 =	sshra.s32 s2, $0x2;
	s2 =	sadd.s32 $0x40, s2;
	[tilespmem:v16+s26+$0x0] =	vst.idx.msk vm5, v14  }
0x98: {  	v13 =	vld [tilespmem:s3+$0x1A000];
	_ =	sdelay $0x4  }
0x99: {  	vm4 =	vge.s32 v13, v11;
	vm5 =	vle.s32 v13, v12  }
0x9a: {  	vm4 =	vmand vm4, vm5  }
0x9b: {  	v11 =	vsel vm4, $0x1, v2  }
0x9c: {  	v61 =	vperm.xlane v11, v3  }
0x9d: {  	vm5 =	veq.s32 v4, $0x0  }
0x9e: {  	v12 =	vsel vm5, $0x0, v61  }
0x9f: {  	v11 =	vadd.s32 v11, v12  }
0xa0: {  	v12 =	vperm.xlane v11, v5;
	_ =	sdelay $0x1  }
0xa1: {  	v12 =	vsel vm0, $0x0, v12  }
0xa2: {  	v11 =	vadd.s32 v12, v11  }
0xa3: {  	v12 =	vperm.xlane v11, v6;
	_ =	sdelay $0x1  }
0xa4: {  	v12 =	vsel vm1, $0x0, v12  }
0xa5: {  	v11 =	vadd.s32 v12, v11  }
0xa6: {  	v12 =	vperm.xlane v11, v7;
	_ =	sdelay $0x1  }
0xa7: {  	v12 =	vsel vm2, $0x0, v12  }
0xa8: {  	v11 =	vadd.s32 v12, v11  }
0xa9: {  	(v2sf) =	vpush v11, $0xF;
	_ =	sdelay $0xd  }
0xaa: {  	s2 =	spop (v2sf)  }
0xab: {  	s0 =	sadd.s32 s0, s2;
	s21 =	spop (v2sf)  }
0xac: {  	v62 =	vmov s0;
	s0 =	sadd.s32 s0, s21  }
0xad: {  	s2 =	sadd.s32 $0x7, s0  }
0xae: {  	s4 =	sand.u32 $0x7, s2  }
0xaf: {  	v12 =	vadd.s32 $0xFFFFFFFF, v62;
	s22 =	sshra.s32 s2, $0x1F;
	p1 =	slt.s32 s2, $0x1;
	p0 =	sne.s32 s4, $0x0  }
0xb0: {  	v12 =	vbroadcast v12, $0x0;
	s23 =	sshrl.u32 s22, $0x1D;
	p0 =	por !p1, !p0  }
0xb1: {  	v63 =	vld [tilespmem:s3+$0x1A480];
	s3 =	simm.s32 $0x1;
	s2 =	sadd.s32 s23, s2;
	p0 =	por !p0, !p0  }
0xb2: {  	s1 =	sadd.s32 $0x10, s1;
	v11 =	vadd.s32 v11, v12;
	s30 =	sshra.s32 s2, $0x3;
	s3 =	simm.s32 @!p0 $0x0  }
0xb3: {  	v14 =	vor.u32 s1, v4;
	s1 =	ssub.s32 s30, s3  }
0xb4: {  	p0 =	slt.s32 s1, $0x1  }
.Ltmp9:
0xb5: {  	_ = 	snop;
	(pc) =	sbr.rel @p0 .LBB2_26-.Ltmp9, $4  }
0xb6: {  	_ = 	snop  }
0xb7: {  	[tilespmem:v11+s24+$0x0] =	vst.idx.msk vm4, v14  }
0xb8: {  	[tilespmem:v11+s25+$0x0] =	vst.idx.msk vm4, v13  }
0xb9: {  	[tilespmem:v11+s26+$0x0] =	vst.idx.msk vm4, v63  }
0xba: {  	v11 =	vld.msk [tilespmem:$0x1A900], $0xff;
	_ =	sdelay $0x4  }
0xbb: {  	v12 =	vshll.u32 v11, $0x4  }
0xbc: {  	v11 =	vand.u32 $0x7, v11;
	v12 =	vand.u32 $0xFFFFFF80, v12  }
0xbd: {  	v11 =	vor.u32 v11, v12  }
0xbe: {  	v11 =	vperm.xlane v11, v8;
	_ =	sdelay $0x1  }
0xbf: {  	v11 =	vadd.s32 v9, v11;
	_ =	sdelay $0x3  }
0xc0: {  	s21 =	simm.s32 $0x0;
	s2 =	rddreg [dreg:$0x0];
	s3 =	simm.s32 $0x12000  }
0xc1: {  	[tilespmem:s3], [sflag:$0x1] =	stream.indirect_vreg.gather [hbm4b:s2+s21], $0x80, v11, vm3, $0xb8;
	[tilespmem:$0x1B680] =	vst v63  }
0xc2: {  	s8 =	rddreg [dreg:$0xa];
	s9 =	simm.s32 $0x12800  }
0xc3: {  	[tilespmem:s9], [sflag:$0x1] =	stream.indirect_vreg.gather [hbm4b:s8+s21], $0x80, v11, vm3, $0xb8;
	[tilespmem:$0x1B680] =	vst v63  }
0xc4: {  	s10 =	rddreg [dreg:$0xb];
	s11 =	simm.s32 $0x13000  }
0xc5: {  	[tilespmem:s11], [sflag:$0x1] =	stream.indirect_vreg.gather [hbm4b:s10+s21], $0x80, v11, vm3, $0xb8;
	[tilespmem:$0x1B680] =	vst v63  }
0xc6: {  	s12 =	rddreg [dreg:$0xc];
	s13 =	simm.s32 $0x13800  }
0xc7: {  	[tilespmem:s13], [sflag:$0x1] =	stream.indirect_vreg.gather [hbm4b:s12+s21], $0x80, v11, vm3, $0xb8;
	[tilespmem:$0x1B680] =	vst v63  }
0xc8: {  	s17 =	simm.s32 $0x14000  }
0xc9: {  	[tilespmem:s17], [sflag:$0x1] =	stream.indirect_vreg.gather [hbm4b:s14+s21], $0x80, v11, vm3, $0xb8;
	[tilespmem:$0x1B680] =	vst v63  }
0xca: {  	s19 =	simm.s32 $0x14800  }
0xcb: {  	[tilespmem:s19], [sflag:$0x1] =	stream.indirect_vreg.gather [hbm4b:s15+s21], $0x80, v11, vm3, $0xb8;
	[tilespmem:$0x1B680] =	vst v63  }
.Ltmp10:
0xcc: {  	s22 =	simm.s32 $0x15000;
	(pc) =	sbr.rel .LBB2_12-.Ltmp10, $4  }
0xcd: {  	[tilespmem:s22], [sflag:$0x1] =	stream.indirect_vreg.gather [hbm4b:s16+s21], $0x80, v11, vm3, $0xb8;
	[tilespmem:$0x1B680] =	vst v63  }
0xce: {  	s23 =	simm.s32 $0x15800;
	s30 =	sadd.s32 $0x1, s1  }
0xcf: {  	[tilespmem:s23], [sflag:$0x1] =	stream.indirect_vreg.gather [hbm4b:s18+s21], $0x80, v11, vm3, $0xb8;
	[tilespmem:$0x1B680] =	vst v63  }
0xd0: {  	s7 =	sadd.s32 $0x10, s31;
	s23 =	sshrl.u32 s30, $0x1  }
.LBB2_25:
0xd1: {  	s21 =	sadd.s32 $0x1, s21  }
0xd2: {  	p0 =	sne.s32 s21, s23  }
.Ltmp11:
0xd3: {  	_ = 	snop;
	(pc) =	sbr.rel @!p0 .LBB2_26-.Ltmp11, $1  }
0xd4: {  	_ =	sdelay $0x3  }
.LBB2_12:
0xd5: {  	s19 =	sshllo.u32 s21, $0x1  }
0xd6: {  	p0 =	sge.s32 s19, s1  }
0xd7: {  	s2 =	sshll.u32 @!p0 s19, $0x5  }
0xd8: {  	s2 =	sshra.s32 @!p0 s2, $0x2  }
0xd9: {  	v11 =	vld.msk @!p0 [tilespmem:s2+$0x1A900], $0xff;
	_ =	sdelay $0x4  }
0xda: {  	v12 =	vshll.u32 @!p0 v11, $0x4  }
0xdb: {  	v13 =	vlaneseq.u32 @!p0;
	v11 =	vand.u32 @!p0 $0x7, v11;
	v12 =	vand.u32 @!p0 $0xFFFFFF80, v12  }
0xdc: {  	v11 =	vor.u32 @!p0 v11, v12;
	v12 =	vand.u32 @!p0 $0x7, v13;
	v13 =	vshrl.u32 @!p0 v13, $0x3  }
0xdd: {  	v11 =	vperm.xlane @!p0 v11, v12;
	v12 =	vmul.u32 @!p0 $0x8, v13;
	_ =	sdelay $0x1  }
0xde: {  	v11 =	vadd.s32 @!p0 v12, v11;
	_ =	sdelay $0x3  }
0xdf: {  	s4 =	rddreg [dreg:$0x0];
	vm4 =	vmmov @!p0 $0xffff;
	s3 =	simm.s32 @!p0 $0x16000;
	s2 =	simm.s32 @!p0 $0x0  }
0xe0: {  	[tilespmem:s3], [sflag:$0x2] =	stream.indirect_vreg.gather @!p0 [hbm4b:s4+s2], $0x80, v11, vm4, $0xb8;
	[tilespmem:$0x1B680] =	vst v63  }
0xe1: {  	s3 =	simm.s32 @!p0 $0x16800;
	s4 =	rddreg [dreg:$0xa]  }
0xe2: {  	[tilespmem:s3], [sflag:$0x2] =	stream.indirect_vreg.gather @!p0 [hbm4b:s4+s2], $0x80, v11, vm4, $0xb8;
	[tilespmem:$0x1B680] =	vst v63  }
0xe3: {  	s3 =	simm.s32 @!p0 $0x17000;
	s4 =	rddreg [dreg:$0xb]  }
0xe4: {  	[tilespmem:s3], [sflag:$0x2] =	stream.indirect_vreg.gather @!p0 [hbm4b:s4+s2], $0x80, v11, vm4, $0xb8;
	[tilespmem:$0x1B680] =	vst v63  }
0xe5: {  	s3 =	simm.s32 @!p0 $0x17800;
	s4 =	rddreg [dreg:$0xc]  }
0xe6: {  	[tilespmem:s3], [sflag:$0x2] =	stream.indirect_vreg.gather @!p0 [hbm4b:s4+s2], $0x80, v11, vm4, $0xb8;
	[tilespmem:$0x1B680] =	vst v63  }
0xe7: {  	s3 =	simm.s32 @!p0 $0x18000  }
0xe8: {  	[tilespmem:s3], [sflag:$0x2] =	stream.indirect_vreg.gather @!p0 [hbm4b:s14+s2], $0x80, v11, vm4, $0xb8;
	[tilespmem:$0x1B680] =	vst v63  }
0xe9: {  	s3 =	simm.s32 @!p0 $0x18800  }
0xea: {  	[tilespmem:s3], [sflag:$0x2] =	stream.indirect_vreg.gather @!p0 [hbm4b:s15+s2], $0x80, v11, vm4, $0xb8;
	[tilespmem:$0x1B680] =	vst v63  }
0xeb: {  	s3 =	simm.s32 @!p0 $0x19000  }
0xec: {  	[tilespmem:s3], [sflag:$0x2] =	stream.indirect_vreg.gather @!p0 [hbm4b:s16+s2], $0x80, v11, vm4, $0xb8;
	[tilespmem:$0x1B680] =	vst v63  }
.Ltmp12:
0xed: {  	s3 =	simm.s32 @!p0 $0x19800;
	(pc) =	sbr.rel .LBB2_13-.Ltmp12, $4  }
0xee: {  	[tilespmem:s3], [sflag:$0x2] =	stream.indirect_vreg.gather @!p0 [hbm4b:s18+s2], $0x80, v11, vm4, $0xb8;
	[tilespmem:$0x1B680] =	vst v63  }
0xef: {  	_ =	swait.ge [sflag:s28], $0x4000  }
0xf0: {  	s5 =	sshll.u32 s21, $0x4;
	[sflag:s28] =	ssyncset.done $0x0  }
0xf1: {  	s4 =	sshll.u32 s21, $0x1;
	v11 =	vmov s5;
	s3 =	simm.s32 $0x0;
	[sflag:s28] =	ssyncadd.s32 $0xFFFFC000  }
.LBB2_16:
0xf2: {  	[tilespmem:s17+$0xE000] =	vst.add.f32.msk $0xffff, v13  }
.LBB2_17:
0xf3: {  	s3 =	sadd.s32 $0x1, s3  }
0xf4: {  	p1 =	sne.s32 s3, $0x8  }
.Ltmp13:
0xf5: {  	_ = 	snop;
	(pc) =	sbr.rel @!p1 .LBB2_18-.Ltmp13, $1  }
0xf6: {  	_ =	sdelay $0x3  }
.LBB2_13:
0xf7: {  	_ =	sdelay $0x1  }
0xf8: {  	s2 =	sadd.s32 s5, s3  }
0xf9: {  	p1 =	sge.s32 s2, s0  }
0xfa: {  	v12 =	vld.idx.msk @!p1 [tilespmem:v11+s3+$0x1AD80 ss:$0x1], $0xffff;
	_ =	sdelay $0x4  }
0xfb: {  	(v2sf) =	vpush @!p1 v12, $0x0;
	_ =	sdelay $0x5  }
0xfc: {  	v12 =	vld.idx.msk @!p1 [tilespmem:v11+s3+$0x1B200 ss:$0x1], $0xffff;
	_ =	sdelay $0x4  }
0xfd: {  	(v2sf) =	vpush @!p1 v12, $0x0;
	_ =	sdelay $0x3  }
0xfe: {  	s6 =	spop @!p1 (v2sf)  }
0xff: {  	s9 =	sadd.s32 @!p1 $0x10, s6  }
0x100: {  	p2 =	sgt.s32 @!p1 s6, s31;
	p3 =	slt.s32 @!p1 s9, s7  }
0x101: {  	s2 =	smov.u32 s6;
	p2 =	por !p2, p1;
	p3 =	por !p3, p1  }
0x102: {  	s2 =	smov.u32 @p2 s31;
	s9 =	smov.u32 @p3 s7  }
0x103: {  	p2 =	sge.s32 @!p1 s2, s9  }
0x104: {  	p2 =	por p1, p2  }
.Ltmp14:
0x105: {  	_ = 	snop;
	(pc) =	sbr.rel @p2 .LBB2_17-.Ltmp14, $2  }
0x106: {  	_ =	sdelay $0x2  }
0x107: {  	s8 =	spop @!p1 (v2sf)  }
0x108: {  	p1 =	sgt.s32 s6, s29;
	s11 =	smov.u32 s29  }
0x109: {  	s17 =	sshll.u32 s3, $0x7;
	s11 =	smov.u32 @p1 s6  }
0x10a: {  	s22 =	sshll.u32 s6, $0x7;
	s12 =	sshll.u32 s6, $0x4;
	s30 =	sadd.s32 s11, s20  }
0x10b: {  	s8 =	sshll.u32 s8, $0x2;
	v12 =	vmov s17;
	s10 =	sshll.u32 s11, $0x7;
	s13 =	sshll.u32 s30, $0xB  }
0x10c: {  	s11 =	sshll.u32 s11, $0x4;
	s10 =	ssub.s32 s10, s22;
	s6 =	sshra.s32 s13, $0x2  }
0x10d: {  	s22 =	ssub.s32 s11, s12;
	s30 =	sshra.s32 s8, $0x2;
	s11 =	sadd.s32 $0x10000, s6  }
0x10e: {  	s17 =	sand.u32 $0x70, s22;
	s12 =	sand.u32 $0xFFFFFC00, s10;
	s8 =	sadd.s32 s30, s11  }
0x10f: {  	s13 =	sor.u32 s17, s12;
	[tilespmem:s8+$0x0] =	vst.add.f32.msk $0xffff, v10  }
0x110: {  	v13 =	vld.idx.msk [tilespmem:v12+s13+$0x12000 ss:$0x1], $0xffff;
	_ =	sdelay $0x3  }
0x111: {  	s17 =	sadd.s32 s30, s6  }
0x112: {  	[tilespmem:s17+$0x0] =	vst.add.f32.msk $0xffff, v13  }
0x113: {  	v13 =	vld.idx.msk [tilespmem:v12+s13+$0x12800 ss:$0x1], $0xffff;
	_ =	sdelay $0x4  }
0x114: {  	[tilespmem:s17+$0x2000] =	vst.add.f32.msk $0xffff, v13  }
0x115: {  	v13 =	vld.idx.msk [tilespmem:v12+s13+$0x13000 ss:$0x1], $0xffff;
	_ =	sdelay $0x4  }
0x116: {  	[tilespmem:s17+$0x4000] =	vst.add.f32.msk $0xffff, v13  }
0x117: {  	v13 =	vld.idx.msk [tilespmem:v12+s13+$0x13800 ss:$0x1], $0xffff;
	_ =	sdelay $0x4  }
0x118: {  	[tilespmem:s17+$0x6000] =	vst.add.f32.msk $0xffff, v13  }
0x119: {  	v13 =	vld.idx.msk [tilespmem:v12+s13+$0x14000 ss:$0x1], $0xffff;
	_ =	sdelay $0x4  }
0x11a: {  	[tilespmem:s17+$0x8000] =	vst.add.f32.msk $0xffff, v13  }
0x11b: {  	v13 =	vld.idx.msk [tilespmem:v12+s13+$0x14800 ss:$0x1], $0xffff;
	_ =	sdelay $0x4  }
0x11c: {  	[tilespmem:s17+$0xA000] =	vst.add.f32.msk $0xffff, v13  }
0x11d: {  	v13 =	vld.idx.msk [tilespmem:v12+s13+$0x15000 ss:$0x1], $0xffff;
	_ =	sdelay $0x3  }
0x11e: {  	s2 =	sadd.s32 $0x1, s2  }
0x11f: {  	p1 =	slt.s32 s2, s9;
	[tilespmem:s17+$0xC000] =	vst.add.f32.msk $0xffff, v13  }
.Ltmp15:
0x120: {  	v13 =	vld.idx.msk [tilespmem:v12+s13+$0x15800 ss:$0x1], $0xffff;
	(pc) =	sbr.rel @!p1 .LBB2_16-.Ltmp15, $2  }
0x121: {  	_ =	sdelay $0x2  }
0x122: {  	s8 =	sadd.s32 $0x200, s11  }
.LBB2_15:
0x123: {  	s11 =	sadd.s32 s30, s8;
	s10 =	sadd.s32 $0x80, s10;
	s22 =	sadd.s32 $0x10, s22  }
0x124: {  	s2 =	sadd.s32 $0x1, s2;
	s12 =	sand.u32 $0x70, s22;
	s13 =	sand.u32 $0xFFFFFC00, s10;
	[tilespmem:s17+$0xE000] =	vst.add.f32.msk $0xffff, v13  }
0x125: {  	p1 =	slt.s32 s2, s9;
	[tilespmem:s11+$0x0] =	vst.add.f32.msk $0xffff, v10;
	s11 =	sor.u32 s12, s13  }
0x126: {  	v13 =	vld.idx.msk [tilespmem:v12+s11+$0x12000 ss:$0x1], $0xffff;
	_ =	sdelay $0x3  }
0x127: {  	s6 =	sadd.s32 $0x200, s6  }
0x128: {  	s17 =	sadd.s32 s30, s6  }
0x129: {  	[tilespmem:s17+$0x0] =	vst.add.f32.msk $0xffff, v13  }
0x12a: {  	v13 =	vld.idx.msk [tilespmem:v12+s11+$0x12800 ss:$0x1], $0xffff;
	_ =	sdelay $0x5  }
0x12b: {  	[tilespmem:s17+$0x2000] =	vst.add.f32.msk $0xffff, v13  }
0x12c: {  	v13 =	vld.idx.msk [tilespmem:v12+s11+$0x13000 ss:$0x1], $0xffff;
	_ =	sdelay $0x5  }
0x12d: {  	[tilespmem:s17+$0x4000] =	vst.add.f32.msk $0xffff, v13  }
0x12e: {  	v13 =	vld.idx.msk [tilespmem:v12+s11+$0x13800 ss:$0x1], $0xffff;
	_ =	sdelay $0x5  }
0x12f: {  	[tilespmem:s17+$0x6000] =	vst.add.f32.msk $0xffff, v13  }
0x130: {  	v13 =	vld.idx.msk [tilespmem:v12+s11+$0x14000 ss:$0x1], $0xffff;
	_ =	sdelay $0x5  }
0x131: {  	[tilespmem:s17+$0x8000] =	vst.add.f32.msk $0xffff, v13  }
0x132: {  	v13 =	vld.idx.msk [tilespmem:v12+s11+$0x14800 ss:$0x1], $0xffff;
	_ =	sdelay $0x5  }
0x133: {  	[tilespmem:s17+$0xA000] =	vst.add.f32.msk $0xffff, v13  }
0x134: {  	v13 =	vld.idx.msk [tilespmem:v12+s11+$0x15000 ss:$0x1], $0xffff;
	_ =	sdelay $0x5  }
0x135: {  	[tilespmem:s17+$0xC000] =	vst.add.f32.msk $0xffff, v13  }
.Ltmp16:
0x136: {  	v13 =	vld.idx.msk [tilespmem:v12+s11+$0x15800 ss:$0x1], $0xffff;
	(pc) =	sbr.rel @p1 .LBB2_15-.Ltmp16, $2  }
0x137: {  	_ =	sdelay $0x2  }
0x138: {  	s8 =	sadd.s32 $0x200, s8  }
.Ltmp17:
0x139: {  	_ = 	snop;
	(pc) =	sbr.rel .LBB2_16-.Ltmp17, $1  }
0x13a: {  	_ =	sdelay $0x3  }
.LBB2_18:
.Ltmp18:
0x13b: {  	(pc) =	sbr.rel @p0 .LBB2_25-.Ltmp18, $1  }
0x13c: {  	_ =	sdelay $0x3  }
0x13d: {  	s2 =	sadd.s32 $0x2, s4  }
0x13e: {  	p0 =	sge.s32 s2, s1  }
0x13f: {  	s2 =	sshll.u32 @!p0 s2, $0x5  }
0x140: {  	s2 =	sshra.s32 @!p0 s2, $0x2  }
0x141: {  	v11 =	vld.msk @!p0 [tilespmem:s2+$0x1A900], $0xff;
	_ =	sdelay $0x4  }
0x142: {  	v12 =	vshll.u32 @!p0 v11, $0x4  }
0x143: {  	v13 =	vlaneseq.u32 @!p0;
	v11 =	vand.u32 @!p0 $0x7, v11;
	v12 =	vand.u32 @!p0 $0xFFFFFF80, v12  }
0x144: {  	v11 =	vor.u32 @!p0 v11, v12;
	v12 =	vand.u32 @!p0 $0x7, v13;
	v13 =	vshrl.u32 @!p0 v13, $0x3  }
0x145: {  	v11 =	vperm.xlane @!p0 v11, v12;
	v12 =	vmul.u32 @!p0 $0x8, v13;
	_ =	sdelay $0x1  }
0x146: {  	v11 =	vadd.s32 @!p0 v12, v11;
	_ =	sdelay $0x3  }
0x147: {  	s4 =	rddreg [dreg:$0x0];
	vm4 =	vmmov @!p0 $0xffff;
	s3 =	simm.s32 @!p0 $0x12000;
	s2 =	simm.s32 @!p0 $0x0  }
0x148: {  	[tilespmem:s3], [sflag:$0x1] =	stream.indirect_vreg.gather @!p0 [hbm4b:s4+s2], $0x80, v11, vm4, $0xb8;
	[tilespmem:$0x1B680] =	vst v63  }
0x149: {  	s3 =	simm.s32 @!p0 $0x12800;
	s4 =	rddreg [dreg:$0xa]  }
0x14a: {  	[tilespmem:s3], [sflag:$0x1] =	stream.indirect_vreg.gather @!p0 [hbm4b:s4+s2], $0x80, v11, vm4, $0xb8;
	[tilespmem:$0x1B680] =	vst v63  }
0x14b: {  	s3 =	simm.s32 @!p0 $0x13000;
	s4 =	rddreg [dreg:$0xb]  }
0x14c: {  	[tilespmem:s3], [sflag:$0x1] =	stream.indirect_vreg.gather @!p0 [hbm4b:s4+s2], $0x80, v11, vm4, $0xb8;
	[tilespmem:$0x1B680] =	vst v63  }
0x14d: {  	s3 =	simm.s32 @!p0 $0x13800;
	s4 =	rddreg [dreg:$0xc]  }
0x14e: {  	[tilespmem:s3], [sflag:$0x1] =	stream.indirect_vreg.gather @!p0 [hbm4b:s4+s2], $0x80, v11, vm4, $0xb8;
	[tilespmem:$0x1B680] =	vst v63  }
0x14f: {  	s3 =	simm.s32 @!p0 $0x14000  }
0x150: {  	[tilespmem:s3], [sflag:$0x1] =	stream.indirect_vreg.gather @!p0 [hbm4b:s14+s2], $0x80, v11, vm4, $0xb8;
	[tilespmem:$0x1B680] =	vst v63  }
0x151: {  	s3 =	simm.s32 @!p0 $0x14800  }
0x152: {  	[tilespmem:s3], [sflag:$0x1] =	stream.indirect_vreg.gather @!p0 [hbm4b:s15+s2], $0x80, v11, vm4, $0xb8;
	[tilespmem:$0x1B680] =	vst v63  }
0x153: {  	s3 =	simm.s32 @!p0 $0x15000  }
0x154: {  	[tilespmem:s3], [sflag:$0x1] =	stream.indirect_vreg.gather @!p0 [hbm4b:s16+s2], $0x80, v11, vm4, $0xb8;
	[tilespmem:$0x1B680] =	vst v63  }
.Ltmp19:
0x155: {  	s30 =	simm.s32 $0x2;
	s3 =	simm.s32 @!p0 $0x15800;
	(pc) =	sbr.rel .LBB2_20-.Ltmp19, $4  }
0x156: {  	[tilespmem:s3], [sflag:$0x1] =	stream.indirect_vreg.gather @!p0 [hbm4b:s18+s2], $0x80, v11, vm4, $0xb8;
	[tilespmem:$0x1B680] =	vst v63  }
0x157: {  	_ =	swait.ge [sflag:s30], $0x4000  }
0x158: {  	s4 =	sshll.u32 s19, $0x3;
	[sflag:s30] =	ssyncset.done $0x0  }
0x159: {  	s5 =	simm.s32 $0x0;
	v11 =	vmov s4;
	[sflag:s30] =	ssyncadd.s32 $0xFFFFC000  }
.LBB2_23:
0x15a: {  	[tilespmem:s17+$0xE000] =	vst.add.f32.msk $0xffff, v13  }
.LBB2_24:
0x15b: {  	s5 =	sadd.s32 $0x1, s5  }
0x15c: {  	p0 =	sne.s32 s5, $0x8  }
.Ltmp20:
0x15d: {  	_ = 	snop;
	(pc) =	sbr.rel @!p0 .LBB2_25-.Ltmp20, $1  }
0x15e: {  	_ =	sdelay $0x3  }
.LBB2_20:
0x15f: {  	_ =	sdelay $0x1  }
0x160: {  	s2 =	sadd.s32 s4, s5  }
0x161: {  	p0 =	sge.s32 s2, s0  }
0x162: {  	v12 =	vld.idx.msk @!p0 [tilespmem:v11+s5+$0x1AD80 ss:$0x1], $0xffff;
	_ =	sdelay $0x4  }
0x163: {  	(v2sf) =	vpush @!p0 v12, $0x0;
	_ =	sdelay $0x5  }
0x164: {  	v12 =	vld.idx.msk @!p0 [tilespmem:v11+s5+$0x1B200 ss:$0x1], $0xffff;
	_ =	sdelay $0x4  }
0x165: {  	(v2sf) =	vpush @!p0 v12, $0x0;
	_ =	sdelay $0x3  }
0x166: {  	s6 =	spop @!p0 (v2sf)  }
0x167: {  	s3 =	sadd.s32 @!p0 $0x10, s6  }
0x168: {  	p1 =	sgt.s32 @!p0 s6, s31;
	p2 =	slt.s32 @!p0 s3, s7  }
0x169: {  	s2 =	smov.u32 s6;
	p1 =	por !p1, p0;
	p2 =	por !p2, p0  }
0x16a: {  	s2 =	smov.u32 @p1 s31;
	s3 =	smov.u32 @p2 s7  }
0x16b: {  	p1 =	sge.s32 @!p0 s2, s3  }
0x16c: {  	p1 =	por p0, p1  }
.Ltmp21:
0x16d: {  	_ = 	snop;
	(pc) =	sbr.rel @p1 .LBB2_24-.Ltmp21, $2  }
0x16e: {  	_ =	sdelay $0x2  }
0x16f: {  	s8 =	spop @!p0 (v2sf)  }
0x170: {  	p0 =	sgt.s32 s6, s29;
	s10 =	smov.u32 s29  }
0x171: {  	s11 =	sshll.u32 s5, $0x7;
	s10 =	smov.u32 @p0 s6  }
0x172: {  	s12 =	sshll.u32 s6, $0x7;
	s8 =	sshll.u32 s8, $0x2;
	s13 =	sadd.s32 s10, s20  }
0x173: {  	v12 =	vmov s11;
	s19 =	sshra.s32 s8, $0x2;
	s9 =	sshll.u32 s10, $0x7;
	s30 =	sshll.u32 s13, $0xB  }
0x174: {  	s10 =	sshll.u32 s10, $0x4;
	s13 =	sshll.u32 s6, $0x4;
	s6 =	sshra.s32 s30, $0x2  }
0x175: {  	s9 =	ssub.s32 s9, s12;
	s10 =	ssub.s32 s10, s13;
	s11 =	sadd.s32 $0x10000, s6  }
0x176: {  	s22 =	sand.u32 $0xFFFFFC00, s9;
	s17 =	sand.u32 $0x70, s10;
	s8 =	sadd.s32 s19, s11  }
0x177: {  	s30 =	sor.u32 s17, s22;
	[tilespmem:s8+$0x0] =	vst.add.f32.msk $0xffff, v10  }
0x178: {  	v13 =	vld.idx.msk [tilespmem:v12+s30+$0x16000 ss:$0x1], $0xffff;
	_ =	sdelay $0x3  }
0x179: {  	s17 =	sadd.s32 s19, s6  }
0x17a: {  	[tilespmem:s17+$0x0] =	vst.add.f32.msk $0xffff, v13  }
0x17b: {  	v13 =	vld.idx.msk [tilespmem:v12+s30+$0x16800 ss:$0x1], $0xffff;
	_ =	sdelay $0x4  }
0x17c: {  	[tilespmem:s17+$0x2000] =	vst.add.f32.msk $0xffff, v13  }
0x17d: {  	v13 =	vld.idx.msk [tilespmem:v12+s30+$0x17000 ss:$0x1], $0xffff;
	_ =	sdelay $0x4  }
0x17e: {  	[tilespmem:s17+$0x4000] =	vst.add.f32.msk $0xffff, v13  }
0x17f: {  	v13 =	vld.idx.msk [tilespmem:v12+s30+$0x17800 ss:$0x1], $0xffff;
	_ =	sdelay $0x4  }
0x180: {  	[tilespmem:s17+$0x6000] =	vst.add.f32.msk $0xffff, v13  }
0x181: {  	v13 =	vld.idx.msk [tilespmem:v12+s30+$0x18000 ss:$0x1], $0xffff;
	_ =	sdelay $0x4  }
0x182: {  	[tilespmem:s17+$0x8000] =	vst.add.f32.msk $0xffff, v13  }
0x183: {  	v13 =	vld.idx.msk [tilespmem:v12+s30+$0x18800 ss:$0x1], $0xffff;
	_ =	sdelay $0x4  }
0x184: {  	[tilespmem:s17+$0xA000] =	vst.add.f32.msk $0xffff, v13  }
0x185: {  	v13 =	vld.idx.msk [tilespmem:v12+s30+$0x19000 ss:$0x1], $0xffff;
	_ =	sdelay $0x3  }
0x186: {  	s2 =	sadd.s32 $0x1, s2  }
0x187: {  	p0 =	slt.s32 s2, s3;
	[tilespmem:s17+$0xC000] =	vst.add.f32.msk $0xffff, v13  }
.Ltmp22:
0x188: {  	v13 =	vld.idx.msk [tilespmem:v12+s30+$0x19800 ss:$0x1], $0xffff;
	(pc) =	sbr.rel @!p0 .LBB2_23-.Ltmp22, $2  }
0x189: {  	_ =	sdelay $0x2  }
0x18a: {  	s8 =	sadd.s32 $0x200, s11  }
.LBB2_22:
0x18b: {  	s11 =	sadd.s32 s19, s8;
	s9 =	sadd.s32 $0x80, s9;
	s10 =	sadd.s32 $0x10, s10  }
0x18c: {  	s2 =	sadd.s32 $0x1, s2;
	s12 =	sand.u32 $0x70, s10;
	s13 =	sand.u32 $0xFFFFFC00, s9;
	[tilespmem:s17+$0xE000] =	vst.add.f32.msk $0xffff, v13  }
0x18d: {  	p0 =	slt.s32 s2, s3;
	[tilespmem:s11+$0x0] =	vst.add.f32.msk $0xffff, v10;
	s11 =	sor.u32 s12, s13  }
0x18e: {  	v13 =	vld.idx.msk [tilespmem:v12+s11+$0x16000 ss:$0x1], $0xffff;
	_ =	sdelay $0x3  }
0x18f: {  	s6 =	sadd.s32 $0x200, s6  }
0x190: {  	s17 =	sadd.s32 s19, s6  }
0x191: {  	[tilespmem:s17+$0x0] =	vst.add.f32.msk $0xffff, v13  }
0x192: {  	v13 =	vld.idx.msk [tilespmem:v12+s11+$0x16800 ss:$0x1], $0xffff;
	_ =	sdelay $0x5  }
0x193: {  	[tilespmem:s17+$0x2000] =	vst.add.f32.msk $0xffff, v13  }
0x194: {  	v13 =	vld.idx.msk [tilespmem:v12+s11+$0x17000 ss:$0x1], $0xffff;
	_ =	sdelay $0x5  }
0x195: {  	[tilespmem:s17+$0x4000] =	vst.add.f32.msk $0xffff, v13  }
0x196: {  	v13 =	vld.idx.msk [tilespmem:v12+s11+$0x17800 ss:$0x1], $0xffff;
	_ =	sdelay $0x5  }
0x197: {  	[tilespmem:s17+$0x6000] =	vst.add.f32.msk $0xffff, v13  }
0x198: {  	v13 =	vld.idx.msk [tilespmem:v12+s11+$0x18000 ss:$0x1], $0xffff;
	_ =	sdelay $0x5  }
0x199: {  	[tilespmem:s17+$0x8000] =	vst.add.f32.msk $0xffff, v13  }
0x19a: {  	v13 =	vld.idx.msk [tilespmem:v12+s11+$0x18800 ss:$0x1], $0xffff;
	_ =	sdelay $0x5  }
0x19b: {  	[tilespmem:s17+$0xA000] =	vst.add.f32.msk $0xffff, v13  }
0x19c: {  	v13 =	vld.idx.msk [tilespmem:v12+s11+$0x19000 ss:$0x1], $0xffff;
	_ =	sdelay $0x5  }
0x19d: {  	[tilespmem:s17+$0xC000] =	vst.add.f32.msk $0xffff, v13  }
.Ltmp23:
0x19e: {  	v13 =	vld.idx.msk [tilespmem:v12+s11+$0x19800 ss:$0x1], $0xffff;
	(pc) =	sbr.rel @p0 .LBB2_22-.Ltmp23, $2  }
0x19f: {  	_ =	sdelay $0x2  }
0x1a0: {  	s8 =	sadd.s32 $0x200, s8  }
.Ltmp24:
0x1a1: {  	_ = 	snop;
	(pc) =	sbr.rel .LBB2_23-.Ltmp24, $1  }
0x1a2: {  	_ =	sdelay $0x3  }
.LBB2_28:
0x1a3: {  	_ =	sfence.sel $0x180000  }
0x1a4: {  	[bflag:$0x0] =	sbarrier.arrive $0xFFFF  }
0x1a5: {  	_ =	strace $0x9000004A  }
0x1a6: {  	s0 =	stileid.u32;
	[bflag:$0x2] =	sbarrier.arrive $0xFFFF  }
0x1a7: {  	p0 =	sne.s32 s0, $0x0;
	s0 =	rddreg [dreg:$0x2]  }
0x1a8: {  	s0 =	sadd.s32 @!p0 $0x100000, s0  }
0x1a9: {  	[sflag:s0] =	ssyncadd.tile.s32 @!p0 $0x1;
	_ =	shalt  }
.Lfunc_end2:
_tile_overlayer_lowered:
.L_overlay_start_2:
0x1aa: {  	(tag) =	ssettag $0x2  }
0x1ab: {  	s0 =	rddreg [dreg:$0x0];
	s2 =	stileid.u32  }
0x1ac: {  	s1 =	rddreg [dreg:$0x1];
	p0 =	sne.s32 s2, $0x0  }
0x1ad: {  	s3 =	rddreg [dreg:$0x2];
	[bflag:$0x3] =	sbarrier.arrive $0xFFFF;
	s2 =	simm.s32 @!p0 $0x1C03  }
0x1ae: {  	[timem:s3], [sflag:s2] =	dma.local @!p0 [hbm:s0], s1  }
0x1af: {  	s0 =	simm.s32 @!p0 $0x3  }
0x1b0: {  	_ =	swait.ge @!p0 [sflag:s0], s1  }
0x1b1: {  	s1 =	ssub.s32 @!p0 $0x0, s1;
	[sflag:s0] =	ssyncset.done @!p0 $0x0  }
0x1b2: {  	[sflag:s0] =	ssyncadd.s32 @!p0 s1  }
0x1b3: {  	[bflag:$0x3] =	sbarrier.arrive $0xFFFF  }
0x1b4: {  	_ =	shalt  }

// kernel: sparse-core-data-format-call.cloned.1.call-start
scs
called_computation_lowered:
.L_overlay_start_0:
0x0: {  	s2 =	sld [smem:$0x3FD9]  }
0x1: {  	s3 =	sld [smem:$0x3FFE];
	_ =	sdelay $0x1  }
0x2: {  	s1 =	srdreg.scid  }
0x3: {  	s0 =	sand.u32 $0x1, s1  }
0x4: {  	s18 =	sshll.u32 s0, $0xA;
	s2 =	sadd.s32 s3, s2  }
0x5: {  	s2 =	sadd.s32 s2, s18  }
0x6: {  	[smem:$0x3FC6] =	sst s2  }
0x7: {  	_ = 	snop  }
0x8: {  	s2 =	sld [smem:$0x3FD0];
	(tm) =	ssettm $0x1  }
0x9: {  	s19 =	sld [smem:$0x3FFB];
	_ =	sdelay $0x3  }
0xa: {  	_ =	strace s19  }
0xb: {  	s3 =	sld [smem:$0x3FFC];
	_ =	sdelay $0x3  }
0xc: {  	_ =	strace s3  }
0xd: {  	s3 =	sld [smem:$0x3FFD];
	_ =	sdelay $0x3  }
0xe: {  	_ =	strace s3  }
0xf: {  	_ =	strace $0x8FFFFFFF  }
0x10: {  	s20 =	sld [smem:$0x3FDB];
	_ =	sdelay $0x1  }
0x11: {  	s4 =	simm.s32 $_scs_section_size  }
0x12: {  	s5 =	simm.s32 $_size__tile_overlayer_lowered;
	s6 =	simm.s32 $_tile_overlayer_lowered  }
0x13: {  	s23 =	simm.s32 $0x1BFF;
	s22 =	sshll.u32 s6, $0x1;
	s3 =	sadd.s32 s4, s20  }
0x14: {  	s7 =	simm.s32 $0x0;
	s21 =	sshll.u32 s5, $0x1;
	s5 =	sadd.s32 s22, s3  }
0x15: {  	[timem:s7], [sflag:s23] =	dma.local [hbm:s5], s21  }
0x16: {  	_ =	swait.ge [sflag:s23], s21  }
0x17: {  	s4 =	ssub.s32 $0x0, s21;
	[sflag:s23] =	ssyncset.done $0x0  }
0x18: {  	[sflag:s23] =	ssyncadd.s32 s4;
	_ =	sdelay $0x1  }
0x19: {  	s24 =	simm.s32 $0x1B8B  }
0x1a: {  	_ =	swait.ge [sflag:s24], $0x1  }
0x1b: {  	[sflag:s24] =	ssyncset.done $0x0  }
0x1c: {  	s26 =	simm.s32 $0x1B8E;
	s25 =	sld [smem:$0x3FFE];
	[sflag:s24] =	ssyncadd.s32 $0xFFFFFFFF  }
0x1d: {  	s27 =	simm.s32 $execute0_lowered;
	[smem:$0x3FD2] =	sst s26  }
0x1e: {  	s5 =	sshll.u32 s27, $0x1;
	_ =	strace $0x80000046;
	[dreg:$0x1] =	wrdreg $0xFFFFFFFF  }
0x1f: {  	s28 =	simm.s32 $_size_execute0_lowered;
	s3 =	sadd.s32 s3, s5;
	[dreg:$0x0] =	wrdreg $0x0  }
0x20: {  	s5 =	sshll.u32 s28, $0x1;
	[dreg:$0x2] =	wrdreg s3  }
0x21: {  	[dreg:$0x3] =	wrdreg s5  }
0x22: {  	[dreg:$0x4] =	wrdreg $0xC0  }
0x23: {  	_ =	task [dreg:s7], $0x5FFFF  }
0x24: {  	[dreg:$0x1] =	wrdreg $0xFFFFFFFF  }
0x25: {  	[dreg:$0x0] =	wrdreg $0x60  }
0x26: {  	[dreg:$0x2] =	wrdreg s2  }
0x27: {  	[dreg:$0x3] =	wrdreg s25  }
0x28: {  	[dreg:$0x4] =	wrdreg $0x9  }
0x29: {  	_ =	task.clear_ibuf [dreg:s7], $0x5FFFF;
	_ =	strace $0x90000046  }
0x2a: {  	s29 =	simm.s32 $0x9;
	_ =	strace $0x80000048  }
0x2b: {  	_ =	swait.ge [sflag:s29], $0x1  }
0x2c: {  	[sflag:s29] =	ssyncadd.s32 $0xFFFFFFFF  }
0x2d: {  	_ =	strace $0x90000048  }
0x2e: {  	_ =	sfence  }
0x2f: {  	s30 =	sld [smem:$0x0];
	_ =	sdelay $0x2  }
0x30: {  	s31 =	sshll.u32 s1, $0xD;
	s1 =	sshrl.u32 s1, $0x2  }
0x31: {  	s3 =	sand.u32 $0x4000, s31;
	s1 =	sadd.s32 s1, s30  }
0x32: {  	s0 =	sor.u32 s3, s0;
	s1 =	sshll.u32 s1, $0x11  }
0x33: {  	s0 =	sor.u32 s1, s0  }
0x34: {  	s0 =	sadd.s32 $0x8F2B, s0  }
0x35: {  	[sflag:s0] =	ssyncadd.remote.s32 $0x1  }
0x36: {  	_ =	sfence.sel $0xFFFF  }
0x37: {  	[dreg:$0x0] =	wrdreg $0xFFFFFFFF;
	(pc) =	sbr.abs _section_cstart, $3  }
0x38: {  	[dreg:$0x1] =	wrdreg $0xFFFFFFFF  }
0x39: {  	_ =	task.clear_ibuf [dreg:s7], $0x2FFFF;
	_ =	strace $0x9FFFFFFF  }
0x3a: {  	(tm) =	ssettm $0x7FFFFFFF  }
0x3b: {  	_ =	shalt  }
tec
execute0_lowered:
.L_overlay_start_1:
0x0: {  	(tag) =	ssettag $0x1  }
0x1: {  	s2 =	rddreg [dreg:$0x0]  }
0x2: {  	s1 =	rddreg [dreg:$0x1]  }
0x3: {  	s0 =	rddreg [dreg:$0x2]  }
0x4: {  	_ =	strace $0x80000047;
	s4 =	srdreg.scid;
	s6 =	simm.s32 $0x2  }
0x5: {  	s12 =	simm.s32 $0x0;
	p0 =	por $0x0, $0x0;
	s13 =	simm.s32 $0x0  }
0x6: {  	s15 =	simm.s32 $0x0;
	s14 =	simm.s32 $0x0;
	s8 =	simm.s32 $0x0  }
.Ltmp0:
0x7: {  	s9 =	simm.s32 $0x0;
	s10 =	simm.s32 $0x0;
	(pc) =	sbr.rel .LBB1_1-.Ltmp0, $4  }
0x8: {  	s7 =	simm.s32 $0x0;
	s3 =	sadd.s32 $0x1200, s1;
	s5 =	sshll.u32 s4, $0x4  }
0x9: {  	s1 =	stileid.u32;
	s4 =	simm.s32 $0x1;
	s5 =	sand.u32 $0x10, s5  }
0xa: {  	s21 =	simm.s32 $0x0;
	[sflag:s4] =	ssyncpa.u1 $0x0;
	s5 =	sor.u32 s1, s5  }
0xb: {  	[sflag:s6] =	ssyncpa.u1 $0x0;
	s6 =	simm.s32 $0x2000;
	s11 =	smov.u32 s5  }
.LBB1_7:
0xc: {  	s16 =	sadd.s32 $0x100, s8  }
0xd: {  	s12 =	sadd.s32 $0x8, s9;
	s17 =	smov.u32 s9;
	p2 =	sgt.s32 s16, $0x3FF  }
0xe: {  	s17 =	smov.u32 @p2 s12  }
0xf: {  	s18 =	smov.u32 s10;
	s12 =	sadd.s32 $0x8, s10;
	p3 =	sgt.s32 s17, $0x7  }
0x10: {  	s18 =	smov.u32 @p3 s12  }
0x11: {  	s19 =	smov.u32 s11;
	s12 =	sadd.s32 $0x20, s11;
	p4 =	sgt.s32 s18, $0x7  }
0x12: {  	p1 =	slt.u32 s7, $0x2;
	s19 =	smov.u32 @p4 s12  }
0x13: {  	s7 =	sadd.s32 $0x1, s7;
	s16 =	simm.s32 @p2 $0x0;
	p2 =	sgt.s32 s19, $0xFF  }
0x14: {  	s20 =	simm.s32 @!p1 $0x2;
	s19 =	smov.u32 @p2 s5;
	p2 =	sne.s32 s7, $0x22  }
.Ltmp1:
0x15: {  	s13 =	smov.u32 s9;
	_ =	swait.ge @!p1 [sflag:s20], $0x4000;
	(pc) =	sbr.rel @!p2 .LBB1_8-.Ltmp1, $4  }
0x16: {  	s15 =	smov.u32 s10;
	s14 =	smov.u32 s11;
	[sflag:s20] =	ssyncset.done @!p1 $0x0  }
0x17: {  	p0 =	por !p0, !p0;
	s17 =	simm.s32 @p3 $0x0;
	[sflag:s20] =	ssyncadd.s32 @!p1 $0xFFFFC000  }
0x18: {  	s9 =	smov.u32 s17;
	s18 =	simm.s32 @p4 $0x0;
	s12 =	smov.u32 s8  }
0x19: {  	s8 =	smov.u32 s16;
	s10 =	smov.u32 s18;
	s11 =	smov.u32 s19  }
.LBB1_1:
0x1a: {  	p1 =	sgt.u32 s7, $0x1F  }
0x1b: {  	s16 =	sxor.u32 @!p1 $0xFFFFFFFF, s7  }
0x1c: {  	s17 =	sshll.u32 @!p1 s9, $0x7;
	s18 =	sand.u32 @!p1 $0x78, s8;
	s19 =	sshll.u32 @!p1 s11, $0xD  }
0x1d: {  	s20 =	sand.u32 @!p1 $0x380, s8;
	s16 =	sshll.u32 @!p1 s16, $0xE;
	s17 =	sand.u32 @!p1 $0x380, s17  }
0x1e: {  	s19 =	sadd.s32 @!p1 s2, s19;
	s17 =	sor.u32 @!p1 s18, s17;
	s18 =	sshll.u32 @!p1 s10, $0xA  }
0x1f: {  	s16 =	sand.u32 @!p1 $0x4000, s16;
	s18 =	sadd.s32 @!p1 s18, s19;
	s19 =	sand.u32 @!p1 $0x7, s8  }
0x20: {  	s17 =	sshrl.u32 @!p1 s17, $0x3;
	s18 =	sadd.s32 @!p1 s20, s18;
	s19 =	sshll.u32 @!p1 s19, $0x12  }
0x21: {  	s17 =	sadd.s32 @!p1 s17, s18;
	s18 =	sor.u32 @!p1 $0x800, s19;
	s19 =	simm.s32 @!p1 $0x2000  }
0x22: {  	[tilespmem:s16], [sflag:$0x1] =	stream.strided.gather @!p1 [hbm4b:s17+s18], $0x4000, s19, s18, $0x38;
	[tilespmem:$0x10000] =	vst v63  }
0x23: {  	p1 =	seq.s32 s7, $0x0  }
0x24: {  	p2 =	seq.s32 @!p1 s7, $0x21  }
0x25: {  	p1 =	por p1, p2  }
.Ltmp2:
0x26: {  	_ = 	snop;
	(pc) =	sbr.rel @p1 .LBB1_7-.Ltmp2, $1  }
0x27: {  	_ =	sdelay $0x3  }
0x28: {  	s16 =	simm.s32 $0x1  }
0x29: {  	_ =	swait.ge [sflag:s4], $0x4000;
	s31 =	sshll.u32 s7, $0xE;
	p1 =	por $0x0, $0x0  }
0x2a: {  	s22 =	simm.s32 $0x0;
	s23 =	simm.s32 $0x0;
	s16 =	simm.s32 @!p0 $0x0  }
0x2b: {  	[sflag:s4] =	ssyncset.done $0x0;
	s19 =	sand.u32 $0x4000, s31;
	s16 =	sshll.u32 s16, $0x10  }
0x2c: {  	[sflag:s4] =	ssyncadd.s32 $0xFFFFC000;
	s20 =	sshrl.u32 s16, $0x2;
	s16 =	sor.u32 $0x8000, s19  }
0x2d: {  	s17 =	sor.u32 $0x40, s20;
	s18 =	sor.u32 $0x8410, s20;
	s20 =	sadd.s32 $0x8400, s20  }
.LBB1_3:
0x2e: {  	v1 =	vld [tilespmem:s17+$0xFFFFFFD0]  }
0x2f: {  	v2 =	vld [tilespmem:s17+$0x430]  }
0x30: {  	s24 =	sshll.u32 s23, $0xB;
	v4 =	vld [tilespmem:s17+$0xFFFFFFE0]  }
0x31: {  	v7 =	vld [tilespmem:s17+$0xFFFFFFF0];
	v0 =	vmov s24  }
0x32: {  	v8 =	vld [tilespmem:s17+$0x0]  }
0x33: {  	s30 =	sand.u32 $0x300, s21;
	v9 =	vld [tilespmem:s17+$0x10]  }
0x34: {  	s25 =	sand.u32 $0x80, s21;
	v10 =	vld [tilespmem:s17+$0x20];
	s24 =	sadd.s32 s30, s19  }
0x35: {  	v11 =	vld [tilespmem:s17+$0x30];
	s24 =	sadd.s32 s25, s24;
	s25 =	simm.s32 $0x1;
	[tilespmem:s18+$0x60] =	vst v2  }
0x36: {  	s31 =	sshll.u32 s22, $0x2;
	s25 =	simm.s32 @!p1 $0x0;
	[tilespmem:s18+$0xFFFFFC00] =	vst v1;
	v3 =	vld.idx.msk [tilespmem:v0+s24+$0x400 ss:$0x1], $0xffff  }
0x37: {  	v6 =	vld [tilespmem:s17+$0x3D0];
	s25 =	sshll.u32 s25, $0x9;
	[tilespmem:s18+$0xFFFFFC10] =	vst v4;
	s24 =	sand.u32 $0xFFFFFC00, s31  }
0x38: {  	v5 =	vld [tilespmem:s17+$0x3E0];
	[tilespmem:s18+$0xFFFFFC20] =	vst v7;
	s24 =	sor.u32 s25, s24  }
0x39: {  	[tilespmem:s18+$0xFFFFFC30] =	vst v8;
	v4 =	vld [tilespmem:s17+$0x400];
	s24 =	sshrl.u32 s24, $0x2  }
0x3a: {  	[tilespmem:s18+$0xFFFFFC40] =	vst v9;
	v1 =	vld [tilespmem:s17+$0x410];
	s24 =	sadd.s32 s24, s20  }
0x3b: {  	[tilespmem:s24+$0x0] =	vst v3;
	v3 =	vld [tilespmem:s17+$0x3F0]  }
0x3c: {  	s28 =	simm.s32 $0x80;
	s27 =	simm.s32 $0x100;
	[tilespmem:s18+$0xFFFFFC50] =	vst v10;
	v2 =	vld [tilespmem:s17+$0x420]  }
0x3d: {  	s26 =	smov.u32 s18;
	s29 =	sand.u32 $0x300, s28;
	v7 =	vld [tilespmem:s17+$0xFFFFFFC0];
	[tilespmem:s18+$0xFFFFFC60] =	vst v11;
	s25 =	sadd.s32 $0x80, s17  }
.LBB1_4:
0x3e: {  	p2 =	sne.s32 s27, $0x380;
	v8 =	vld [tilespmem:s25+$0xFFFFFFD0];
	s28 =	sand.u32 $0x80, s28;
	s29 =	sadd.s32 s29, s19;
	[tilespmem:s26+$0x0] =	vst v6  }
0x3f: {  	s29 =	sadd.s32 s28, s29;
	v6 =	vld [tilespmem:s25+$0x430];
	[tilespmem:s26+$0x10] =	vst v5;
	s28 =	smov.u32 s27  }
0x40: {  	v5 =	vld.idx.msk [tilespmem:v0+s29+$0x400 ss:$0x1], $0xffff;
	[tilespmem:s26+$0x20] =	vst v3  }
0x41: {  	v3 =	vld [tilespmem:s25+$0xFFFFFFE0];
	[tilespmem:s26+$0x30] =	vst v4  }
0x42: {  	v4 =	vld [tilespmem:s25+$0xFFFFFFF0];
	[tilespmem:s26+$0xFFFFFBF0] =	vst v7  }
0x43: {  	v7 =	vld [tilespmem:s25+$0x0];
	[tilespmem:s26+$0x40] =	vst v1  }
0x44: {  	v1 =	vld [tilespmem:s25+$0x10];
	[tilespmem:s26+$0x50] =	vst v2;
	s26 =	sadd.s32 $0x800, s26  }
0x45: {  	s24 =	sadd.s32 $0x800, s24;
	v2 =	vld [tilespmem:s25+$0x20];
	[tilespmem:s26+$0x60] =	vst v6  }
0x46: {  	v9 =	vld [tilespmem:s25+$0x30];
	[tilespmem:s24+$0x0] =	vst v5  }
0x47: {  	[tilespmem:s26+$0xFFFFFC00] =	vst v8;
	v6 =	vld [tilespmem:s25+$0x3D0]  }
0x48: {  	[tilespmem:s26+$0xFFFFFC10] =	vst v3;
	v5 =	vld [tilespmem:s25+$0x3E0]  }
.Ltmp3:
0x49: {  	[tilespmem:s26+$0xFFFFFC20] =	vst v4;
	v3 =	vld [tilespmem:s25+$0x3F0];
	(pc) =	sbr.rel @p2 .LBB1_4-.Ltmp3, $4  }
0x4a: {  	[tilespmem:s26+$0xFFFFFC30] =	vst v7;
	v4 =	vld [tilespmem:s25+$0x400]  }
0x4b: {  	[tilespmem:s26+$0xFFFFFC40] =	vst v1;
	v1 =	vld [tilespmem:s25+$0x410]  }
0x4c: {  	[tilespmem:s26+$0xFFFFFC50] =	vst v2;
	v2 =	vld [tilespmem:s25+$0x420]  }
0x4d: {  	s27 =	sadd.s32 $0x80, s27;
	s29 =	sand.u32 $0x300, s28;
	v7 =	vld [tilespmem:s25+$0xFFFFFFC0];
	[tilespmem:s26+$0xFFFFFC60] =	vst v9;
	s25 =	sadd.s32 $0x80, s25  }
0x4e: {  	[tilespmem:s26+$0x0] =	vst v6  }
0x4f: {  	[tilespmem:s26+$0x10] =	vst v5  }
0x50: {  	v49 =	vld [tilespmem:s25+$0x430];
	[tilespmem:s26+$0x20] =	vst v3  }
0x51: {  	v50 =	vld [tilespmem:s25+$0xFFFFFFD0];
	[tilespmem:s26+$0x30] =	vst v4  }
0x52: {  	v51 =	vld [tilespmem:s25+$0xFFFFFFE0];
	[tilespmem:s26+$0x40] =	vst v1  }
0x53: {  	v52 =	vld [tilespmem:s25+$0xFFFFFFF0];
	[tilespmem:s26+$0x50] =	vst v2  }
0x54: {  	s31 =	sadd.s32 $0x800, s26;
	v53 =	vld [tilespmem:s25+$0x0];
	[tilespmem:s26+$0xFFFFFBF0] =	vst v7  }
0x55: {  	v54 =	vld [tilespmem:s25+$0x10];
	[tilespmem:s31+$0x60] =	vst v49  }
0x56: {  	v55 =	vld [tilespmem:s25+$0x20];
	[tilespmem:s31+$0xFFFFFC00] =	vst v50  }
0x57: {  	v56 =	vld [tilespmem:s25+$0x30];
	[tilespmem:s31+$0xFFFFFC10] =	vst v51  }
0x58: {  	v57 =	vld [tilespmem:s25+$0x3D0];
	[tilespmem:s31+$0xFFFFFC20] =	vst v52  }
0x59: {  	v58 =	vld [tilespmem:s25+$0x3E0];
	[tilespmem:s31+$0xFFFFFC30] =	vst v53  }
0x5a: {  	v59 =	vld [tilespmem:s25+$0x3F0];
	[tilespmem:s31+$0xFFFFFC40] =	vst v54  }
0x5b: {  	v60 =	vld [tilespmem:s25+$0x400];
	[tilespmem:s31+$0xFFFFFC50] =	vst v55  }
0x5c: {  	v61 =	vld [tilespmem:s25+$0xFFFFFFC0];
	[tilespmem:s31+$0xFFFFFC60] =	vst v56  }
0x5d: {  	s27 =	sand.u32 $0x80, s28;
	s30 =	sadd.s32 s29, s19;
	v62 =	vld [tilespmem:s25+$0x410];
	[tilespmem:s31+$0x0] =	vst v57  }
0x5e: {  	v63 =	vld [tilespmem:s25+$0x420];
	s23 =	sadd.s32 $0x1, s23;
	s27 =	sadd.s32 s27, s30;
	[tilespmem:s31+$0x10] =	vst v58  }
0x5f: {  	p2 =	sne.s32 s23, $0x8;
	v0 =	vld.idx.msk [tilespmem:v0+s27+$0x400 ss:$0x1], $0xffff;
	[tilespmem:s31+$0x20] =	vst v59  }
.Ltmp4:
0x60: {  	[tilespmem:s31+$0x30] =	vst v60;
	(pc) =	sbr.rel @p2 .LBB1_3-.Ltmp4, $4  }
0x61: {  	[tilespmem:s31+$0xFFFFFBF0] =	vst v61  }
0x62: {  	[tilespmem:s31+$0x40] =	vst v62  }
0x63: {  	s24 =	sadd.s32 $0x800, s24;
	s17 =	sadd.s32 $0x800, s17;
	[tilespmem:s31+$0x50] =	vst v63  }
0x64: {  	s22 =	sadd.s32 $0x80, s22;
	p1 =	por !p1, !p1;
	s18 =	sadd.s32 $0x80, s18;
	[tilespmem:s24+$0x0] =	vst v0  }
0x65: {  	s15 =	sshll.u32 s15, $0x7;
	s17 =	sand.u32 $0x78, s12  }
0x66: {  	s14 =	sshll.u32 s14, $0xD;
	s13 =	sshll.u32 s13, $0xA;
	s29 =	sand.u32 $0x380, s12  }
.Ltmp5:
0x67: {  	s15 =	sand.u32 $0x380, s15;
	s14 =	sadd.s32 s3, s14;
	(pc) =	sbr.rel .LBB1_7-.Ltmp5, $4  }
0x68: {  	s30 =	sand.u32 $0x7, s12;
	s15 =	sor.u32 s15, s17;
	s13 =	sadd.s32 s13, s14  }
0x69: {  	s12 =	sshll.u32 s30, $0x12;
	s31 =	sshrl.u32 s15, $0x3;
	s13 =	sadd.s32 s29, s13  }
0x6a: {  	s12 =	sor.u32 $0x800, s12;
	s13 =	sadd.s32 s31, s13  }
0x6b: {  	[hbm4b:s13+s12] =	stream.strided.scatter [tilespmem:s16], [sflag:$0x2], $0x4000, s6, s12, $0x38;
	[tilespmem:$0x10000] =	vst v63  }
.LBB1_8:
0x6c: {  	_ =	sfence.sel $0x180000  }
0x6d: {  	s2 =	simm.s32 $0x1;
	[bflag:$0x0] =	sbarrier.arrive $0xFFFF  }
0x6e: {  	s31 =	simm.s32 $0x2;
	[sflag:s2] =	ssyncpa.u1 $0x1  }
0x6f: {  	[sflag:s31] =	ssyncpa.u1 $0x1  }
0x70: {  	p0 =	sne.s32 s1, $0x0;
	_ =	strace $0x90000047  }
0x71: {  	s0 =	sadd.s32 @!p0 $0x100000, s0;
	[bflag:$0x2] =	sbarrier.arrive $0xFFFF  }
0x72: {  	[sflag:s0] =	ssyncadd.tile.s32 @!p0 $0x1;
	_ =	shalt  }
.Lfunc_end1:
_tile_overlayer_lowered:
.L_overlay_start_2:
0x73: {  	(tag) =	ssettag $0x2  }
0x74: {  	s0 =	rddreg [dreg:$0x0];
	s2 =	stileid.u32  }
0x75: {  	s1 =	rddreg [dreg:$0x1];
	p0 =	sne.s32 s2, $0x0  }
0x76: {  	s3 =	rddreg [dreg:$0x2];
	[bflag:$0x3] =	sbarrier.arrive $0xFFFF;
	s2 =	simm.s32 @!p0 $0x1C01  }
0x77: {  	[timem:s3], [sflag:s2] =	dma.local @!p0 [hbm:s0], s1  }
0x78: {  	s0 =	simm.s32 @!p0 $0x1  }
0x79: {  	_ =	swait.ge @!p0 [sflag:s0], s1  }
0x7a: {  	s1 =	ssub.s32 @!p0 $0x0, s1;
	[sflag:s0] =	ssyncset.done @!p0 $0x0  }
0x7b: {  	[sflag:s0] =	ssyncadd.s32 @!p0 s1  }
0x7c: {  	[bflag:$0x3] =	sbarrier.arrive $0xFFFF  }
0x7d: {  	_ =	shalt  }

</sc_bundles>
